<compile_context>
chip_gen: v7x
topology: tpu7x:2x2x1
jax: 0.10.2.dev20260603
libtpu: 0.0.44.dev20260713+nightly
codegen_flags: <defaults>
</compile_context>

<pallas_src>
import functools

import jax
import jax.numpy as jnp
from jax import lax
from jax.experimental import pallas as pl
from jax.experimental.pallas import tpu as pltpu
from jax.experimental.pallas import tpu_sc as plsc

_B, _C, _W, _H, _D, _V = 64, 256, 16, 16, 64, 8192
_HW = _W * _H
_EPS = 1e-6
_NC, _NS, _L = 2, 16, 16
_NW = _NC * _NS
_CHUNKS = _V // _L

_NSPLIT = 1
_BPS = _B // _NSPLIT
_TCB = 16


def _tc_gram_body(x_ref, nw_ref, w2t_ref, bfr_ref, btr_ref, g_ref):
    for j in range(_TCB):
        xs = x_ref[j]
        y = xs * nw_ref[...]
        ab = jnp.dot(y, w2t_ref[...], preferred_element_type=jnp.float32)
        ms = jnp.mean(xs * xs)
        scale = lax.rsqrt(ms + _EPS)
        ft = ab[:, :_D] * scale + bfr_ref[...]
        tt = ab[:, _D:] * scale + btr_ref[...]
        g_ref[j] = lax.dot_general(ft, tt, (((1,), (1,)), ((), ())),
                                   preferred_element_type=jnp.float32)


def _tc_gram(xcl, nwcl, w2t, bfr, btr, split):
    off = split * (_BPS // _TCB)
    return pl.pallas_call(
        _tc_gram_body,
        grid=(_BPS // _TCB,),
        in_specs=[
            pl.BlockSpec((_TCB, _HW, _C), lambda b: (off + b, 0, 0)),
            pl.BlockSpec((_HW, _C), lambda b: (0, 0)),
            pl.BlockSpec((_C, 2 * _D), lambda b: (0, 0)),
            pl.BlockSpec((1, _D), lambda b: (0, 0)),
            pl.BlockSpec((1, _D), lambda b: (0, 0)),
        ],
        out_specs=pl.BlockSpec((_TCB, _HW, _HW), lambda b: (b, 0, 0)),
        out_shape=jax.ShapeDtypeStruct((_BPS, _HW, _HW), jnp.float32),
    )(xcl, nwcl, w2t, bfr, btr)


@functools.partial(
    pl.kernel,
    out_type=jax.ShapeDtypeStruct((_BPS, _V), jnp.float32),
    mesh=plsc.VectorSubcoreMesh(core_axis_name="c", subcore_axis_name="s"),
    compiler_params=pltpu.CompilerParams(needs_layout_passes=False),
    scratch_types=[
        pltpu.VMEM((_HW, _HW), jnp.float32),
        pltpu.VMEM((_V,), jnp.float32),
        pltpu.VMEM((_V,), jnp.int32),
        pltpu.VMEM((_V,), jnp.int32),
        pltpu.VMEM((_V,), jnp.int32),
        pltpu.VMEM((_V,), jnp.float32),
        pltpu.VMEM((_L,), jnp.float32),
        pltpu.SemaphoreType.DMA,
        pltpu.SemaphoreType.DMA,
    ],
)
def _sc_score(g_hbm, from_hbm, to_hbm, promo_hbm, pb_hbm, out_hbm,
              tab_v, out_v, p_v, q_v, r_v, pbm_v, pb_v, semt, semi):
    wid = lax.axis_index("s") * _NC + lax.axis_index("c")
    bpt = _BPS // _NW
    b0 = wid * bpt
    cpt = pltpu.async_copy(g_hbm.at[b0], tab_v, semt)
    cp1 = pltpu.async_copy(from_hbm, p_v, semi)
    cp2 = pltpu.async_copy(to_hbm, q_v, semi)
    cp3 = pltpu.async_copy(promo_hbm, r_v, semi)
    cp4 = pltpu.async_copy(pb_hbm, pb_v, semi)
    cp1.wait()
    cp2.wait()
    cp3.wait()
    cp4.wait()

    @plsc.parallel_loop(0, _CHUNKS, unroll=8)
    def _(i):
        sl = pl.ds(i * _L, _L)
        pbm_v[sl] = plsc.load_gather(pb_v, [r_v[sl]])

    for j in range(bpt):
        cpt.wait()

        @plsc.parallel_loop(0, _CHUNKS, unroll=16)
        def _(i):
            sl = pl.ds(i * _L, _L)
            out_v[sl] = plsc.load_gather(tab_v, [p_v[sl], q_v[sl]]) + pbm_v[sl]

        if j + 1 < bpt:
            cpt = pltpu.async_copy(g_hbm.at[b0 + j + 1], tab_v, semt)
        pltpu.sync_copy(out_v, out_hbm.at[b0 + j])


def kernel(x, from_idx, to_idx, promo_idx, norm_weight, Wf, bf, Wt, bt, promo_bias):
    nwcl = jnp.transpose(norm_weight.reshape(_C, _HW), (1, 0))
    w2t = jnp.concatenate([Wf, Wt], axis=0).T
    bfr = bf.reshape(1, _D)
    btr = bt.reshape(1, _D)
    pb16 = jnp.pad(promo_bias, (0, _L - promo_bias.shape[0]))
    xcl = jnp.transpose(x.reshape(_B, _C, _HW), (0, 2, 1))
    outs = []
    for s in range(_NSPLIT):
        gs = _tc_gram(xcl, nwcl, w2t, bfr, btr, s)
        outs.append(_sc_score(gs, from_idx, to_idx, promo_idx, pb16))
    return outs[0] if _NSPLIT == 1 else jnp.concatenate(outs, axis=0)

# --- scband reference (transcript-rebuilt; emitter-appended) ---
"""Pipeline reference for scband-bilinear-head-60584808677393 (READ-ONLY COPY).

The authoritative reference and input builder live on the scoring server;
editing this copy changes nothing except your own understanding.
"""

import jax, jax.numpy as jnp
import numpy as np

B, C, W, H, D, V = 64, 256, 16, 16, 64, 8192
EPS = 1e-6


def setup_inputs(seed: int = 0) -> dict:
    key = jax.random.key(seed)
    ks = jax.random.split(key, 8)
    x = jax.random.normal(ks[0], (B, C, W, H), dtype=jnp.float32)
    from_idx = jax.random.randint(ks[1], (V,), 0, W * H, dtype=jnp.int32)
    to_idx = jax.random.randint(ks[2], (V,), 0, W * H, dtype=jnp.int32)
    promo_idx = jax.random.randint(ks[3], (V,), 0, 5, dtype=jnp.int32)
    # learned parameters
    norm_weight = jnp.ones((C, W, H), dtype=jnp.float32)  # RMSNorm elementwise affine weight
    Wf = jax.random.normal(ks[4], (D, C), dtype=jnp.float32) * (1.0 / np.sqrt(C))  # 1x1 conv == matmul over channels
    bf = jnp.zeros((D,), dtype=jnp.float32)
    Wt = jax.random.normal(ks[5], (D, C), dtype=jnp.float32) * (1.0 / np.sqrt(C))
    bt = jnp.zeros((D,), dtype=jnp.float32)
    promo_bias = jnp.zeros((5,), dtype=jnp.float32)
    return {
        "x": x,
        "from_idx": from_idx,
        "to_idx": to_idx,
        "promo_idx": promo_idx,
        "norm_weight": norm_weight,
        "Wf": Wf,
        "bf": bf,
        "Wt": Wt,
        "bt": bt,
        "promo_bias": promo_bias,
    }


def reference(x, from_idx, to_idx, promo_idx, norm_weight, Wf, bf, Wt, bt, promo_bias):
    # RMSNorm over normalized_shape [C, W, H]
    ms = jnp.mean(x * x, axis=(1, 2, 3), keepdims=True)
    xn = x * jax.lax.rsqrt(ms + EPS) * norm_weight[None, :, :, :]
    # 1x1 convs == channel matmuls
    f = jnp.einsum('bchw,dc->bdhw', xn, Wf) + bf[None, :, None, None]
    t = jnp.einsum('bchw,dc->bdhw', xn, Wt) + bt[None, :, None, None]
    f = f.reshape(f.shape[0], f.shape[1], -1)  # [B, D, HW]
    t = t.reshape(t.shape[0], t.shape[1], -1)  # [B, D, HW]
    # endpoint feature gather + bilinear score
    fg = jnp.take(f, from_idx, axis=2)  # [B, D, V]
    tg = jnp.take(t, to_idx, axis=2)    # [B, D, V]
    score = jnp.sum(fg * tg, axis=1)    # [B, V]
    return score + jnp.take(promo_bias, promo_idx)[None, :]


if False:  # reference __main__ guard neutralized (emitter)
    out = reference(**setup_inputs())
    print(out.shape, out.dtype)

if __name__ == "__main__":
    import jax
    _d = setup_inputs()
    print(jax.jit(kernel)(*tuple(_d.values())))

</pallas_src>

<mosaic_0001>
#map = affine_map<(d0, d1) -> (0, 0, 0)>
#map1 = affine_map<(d0, d1) -> (0)>
#map2 = affine_map<(d0, d1) -> (0, 0)>
module attributes {stable_mosaic.version = 14 : i64} {
  func.func @_sc_score(%arg0: i32, %arg1: i32, %arg2: memref<64x256x256xf32, #tpu.memory_space<hbm>>, %arg3: memref<8192xi32, #tpu.memory_space<hbm>>, %arg4: memref<8192xi32, #tpu.memory_space<hbm>>, %arg5: memref<8192xi32, #tpu.memory_space<hbm>>, %arg6: memref<16xf32, #tpu.memory_space<hbm>>, %arg7: memref<64x8192xf32, #tpu.memory_space<hbm>>, %arg8: memref<256x256xf32, #tpu.memory_space<vmem>>, %arg9: memref<8192xf32, #tpu.memory_space<vmem>>, %arg10: memref<8192xi32, #tpu.memory_space<vmem>>, %arg11: memref<8192xi32, #tpu.memory_space<vmem>>, %arg12: memref<8192xi32, #tpu.memory_space<vmem>>, %arg13: memref<8192xf32, #tpu.memory_space<vmem>>, %arg14: memref<16xf32, #tpu.memory_space<vmem>>, %arg15: memref<!tpu.dma_semaphore, #tpu.memory_space<semaphore_mem>>, %arg16: memref<!tpu.dma_semaphore, #tpu.memory_space<semaphore_mem>>) attributes {dimension_semantics = [#tpu.dimension_semantics<core_parallel>, #tpu.dimension_semantics<subcore_parallel>], iteration_bounds = array<i64: 2, 16>, scalar_prefetch = 0 : i64, scratch_operands = 9 : i64, tpu.core_type = #tpu.core_type<sc_vector_subcore>, window_params = [{transform_indices = #map}, {transform_indices = #map1}, {transform_indices = #map1}, {transform_indices = #map1}, {transform_indices = #map1}, {transform_indices = #map2}]} {
    %mul3A = arith.constant 2 : i32
    %mul3A_0 = arith.muli %arg1, %mul3A : i32
    %add3A = arith.addi %mul3A_0, %arg0 : i32
    %mul3A_1 = arith.constant 2 : i32
    %mul3A_2 = arith.muli %add3A, %mul3A_1 : i32
    %dma_start3A = arith.constant 0 : i32
    %dma_start3A_3 = arith.constant 0 : i32
    %dma_start3A_4 = tpu.memref_slice %arg2[%mul3A_2, %dma_start3A, %dma_start3A_3] : memref<64x256x256xf32, #tpu.memory_space<hbm>> -> memref<1x256x256xf32, #tpu.memory_space<hbm>>
    %dma_start3A_5 = tpu.memref_squeeze %dma_start3A_4 : memref<1x256x256xf32, #tpu.memory_space<hbm>> -> memref<256x256xf32, #tpu.memory_space<hbm>>
    %dma_start3A_6 = arith.constant 0 : i32
    %dma_start3A_7 = arith.constant 0 : i32
    %dma_start3A_8 = tpu.memref_slice %arg2[%mul3A_2, %dma_start3A_6, %dma_start3A_7] : memref<64x256x256xf32, #tpu.memory_space<hbm>> -> memref<1x256x256xf32, #tpu.memory_space<hbm>>
    %dma_start3A_9 = tpu.memref_squeeze %dma_start3A_8 : memref<1x256x256xf32, #tpu.memory_space<hbm>> -> memref<256x256xf32, #tpu.memory_space<hbm>>
    tpu.enqueue_dma source(%dma_start3A_9 : memref<256x256xf32, #tpu.memory_space<hbm>>) target(%arg8 : memref<256x256xf32, #tpu.memory_space<vmem>>) target_semaphore(%arg15 : memref<!tpu.dma_semaphore, #tpu.memory_space<semaphore_mem>>)
    tpu.enqueue_dma source(%arg3 : memref<8192xi32, #tpu.memory_space<hbm>>) target(%arg10 : memref<8192xi32, #tpu.memory_space<vmem>>) target_semaphore(%arg16 : memref<!tpu.dma_semaphore, #tpu.memory_space<semaphore_mem>>)
    tpu.enqueue_dma source(%arg4 : memref<8192xi32, #tpu.memory_space<hbm>>) target(%arg11 : memref<8192xi32, #tpu.memory_space<vmem>>) target_semaphore(%arg16 : memref<!tpu.dma_semaphore, #tpu.memory_space<semaphore_mem>>)
    tpu.enqueue_dma source(%arg5 : memref<8192xi32, #tpu.memory_space<hbm>>) target(%arg12 : memref<8192xi32, #tpu.memory_space<vmem>>) target_semaphore(%arg16 : memref<!tpu.dma_semaphore, #tpu.memory_space<semaphore_mem>>)
    tpu.enqueue_dma source(%arg6 : memref<16xf32, #tpu.memory_space<hbm>>) target(%arg14 : memref<16xf32, #tpu.memory_space<vmem>>) target_semaphore(%arg16 : memref<!tpu.dma_semaphore, #tpu.memory_space<semaphore_mem>>)
    tpu.wait_dma2 semaphore(%arg16 : memref<!tpu.dma_semaphore, #tpu.memory_space<semaphore_mem>>) src(%arg3 : memref<8192xi32, #tpu.memory_space<hbm>>) dst(%arg10 : memref<8192xi32, #tpu.memory_space<vmem>>)
    tpu.wait_dma2 semaphore(%arg16 : memref<!tpu.dma_semaphore, #tpu.memory_space<semaphore_mem>>) src(%arg4 : memref<8192xi32, #tpu.memory_space<hbm>>) dst(%arg11 : memref<8192xi32, #tpu.memory_space<vmem>>)
    tpu.wait_dma2 semaphore(%arg16 : memref<!tpu.dma_semaphore, #tpu.memory_space<semaphore_mem>>) src(%arg5 : memref<8192xi32, #tpu.memory_space<hbm>>) dst(%arg12 : memref<8192xi32, #tpu.memory_space<vmem>>)
    tpu.wait_dma2 semaphore(%arg16 : memref<!tpu.dma_semaphore, #tpu.memory_space<semaphore_mem>>) src(%arg6 : memref<16xf32, #tpu.memory_space<hbm>>) dst(%arg14 : memref<16xf32, #tpu.memory_space<vmem>>)
    %parallel_loop3A = arith.constant 0 : i32
    %parallel_loop3A_10 = arith.constant 512 : i32
    %parallel_loop3A_11 = arith.constant 1 : i32
    scf.for %parallel_loop3A_49 = %parallel_loop3A to %parallel_loop3A_10 step %parallel_loop3A_11  : i32 {
      %parallel_loop3A_50 = arith.constant 16 : i32
      %parallel_loop3A_51 = arith.muli %parallel_loop3A_49, %parallel_loop3A_50 : i32
      %parallel_loop3A_52 = arith.index_cast %parallel_loop3A_51 : i32 to index
      %parallel_loop3A_53 = tpu.vector_load %arg12[%parallel_loop3A_52] {strides = array<i32>} : memref<8192xi32, #tpu.memory_space<vmem>>, vector<16xi32>,
      %parallel_loop3A_54 = tpu.vector_load_idx %arg14[%parallel_loop3A_53] : memref<16xf32, #tpu.memory_space<vmem>>[vector<16xi32>], vector<16xf32>,
      %parallel_loop3A_55 = arith.index_cast %parallel_loop3A_51 : i32 to index
      %parallel_loop3A_56 = tpu.vector_load %arg13[%parallel_loop3A_55] {strides = array<i32>} : memref<8192xf32, #tpu.memory_space<vmem>>, vector<16xf32>,
      tpu.vector_store %arg13[%parallel_loop3A_55], %parallel_loop3A_54 {strides = array<i32>} : memref<8192xf32, #tpu.memory_space<vmem>>, vector<16xf32>,
    } {sc.loop_unroll_factor = 8 : i64, sc.parallel_access}
    %dma_wait3A = arith.constant 0 : i32
    %dma_wait3A_12 = arith.constant 0 : i32
    %dma_wait3A_13 = tpu.memref_slice %arg2[%mul3A_2, %dma_wait3A, %dma_wait3A_12] : memref<64x256x256xf32, #tpu.memory_space<hbm>> -> memref<1x256x256xf32, #tpu.memory_space<hbm>>
    %dma_wait3A_14 = tpu.memref_squeeze %dma_wait3A_13 : memref<1x256x256xf32, #tpu.memory_space<hbm>> -> memref<256x256xf32, #tpu.memory_space<hbm>>
    %dma_wait3A_15 = arith.constant 0 : i32
    %dma_wait3A_16 = arith.constant 0 : i32
    %dma_wait3A_17 = tpu.memref_slice %arg2[%mul3A_2, %dma_wait3A_15, %dma_wait3A_16] : memref<64x256x256xf32, #tpu.memory_space<hbm>> -> memref<1x256x256xf32, #tpu.memory_space<hbm>>
    %dma_wait3A_18 = tpu.memref_squeeze %dma_wait3A_17 : memref<1x256x256xf32, #tpu.memory_space<hbm>> -> memref<256x256xf32, #tpu.memory_space<hbm>>
    tpu.wait_dma2 semaphore(%arg15 : memref<!tpu.dma_semaphore, #tpu.memory_space<semaphore_mem>>) src(%dma_wait3A_18 : memref<256x256xf32, #tpu.memory_space<hbm>>) dst(%arg8 : memref<256x256xf32, #tpu.memory_space<vmem>>)
    %parallel_loop3A_19 = arith.constant 0 : i32
    %parallel_loop3A_20 = arith.constant 512 : i32
    %parallel_loop3A_21 = arith.constant 1 : i32
    scf.for %parallel_loop3A_49 = %parallel_loop3A_19 to %parallel_loop3A_20 step %parallel_loop3A_21  : i32 {
      %parallel_loop3A_50 = arith.constant 16 : i32
      %parallel_loop3A_51 = arith.muli %parallel_loop3A_49, %parallel_loop3A_50 : i32
      %parallel_loop3A_52 = arith.index_cast %parallel_loop3A_51 : i32 to index
      %parallel_loop3A_53 = tpu.vector_load %arg10[%parallel_loop3A_52] {strides = array<i32>} : memref<8192xi32, #tpu.memory_space<vmem>>, vector<16xi32>,
      %parallel_loop3A_54 = arith.index_cast %parallel_loop3A_51 : i32 to index
      %parallel_loop3A_55 = tpu.vector_load %arg11[%parallel_loop3A_54] {strides = array<i32>} : memref<8192xi32, #tpu.memory_space<vmem>>, vector<16xi32>,
      %parallel_loop3A_56 = tpu.vector_load_idx %arg8[%parallel_loop3A_53, %parallel_loop3A_55] : memref<256x256xf32, #tpu.memory_space<vmem>>[vector<16xi32>, vector<16xi32>], vector<16xf32>,
      %parallel_loop3A_57 = arith.index_cast %parallel_loop3A_51 : i32 to index
      %parallel_loop3A_58 = tpu.vector_load %arg13[%parallel_loop3A_57] {strides = array<i32>} : memref<8192xf32, #tpu.memory_space<vmem>>, vector<16xf32>,
      %parallel_loop3A_59 = arith.addf %parallel_loop3A_56, %parallel_loop3A_58 : vector<16xf32>
      %parallel_loop3A_60 = arith.index_cast %parallel_loop3A_51 : i32 to index
      %parallel_loop3A_61 = tpu.vector_load %arg9[%parallel_loop3A_60] {strides = array<i32>} : memref<8192xf32, #tpu.memory_space<vmem>>, vector<16xf32>,
      tpu.vector_store %arg9[%parallel_loop3A_60], %parallel_loop3A_59 {strides = array<i32>} : memref<8192xf32, #tpu.memory_space<vmem>>, vector<16xf32>,
    } {sc.loop_unroll_factor = 16 : i64, sc.parallel_access}
    %add3A_22 = arith.constant 0 : i32
    %add3A_23 = arith.addi %mul3A_2, %add3A_22 : i32
    %add3A_24 = arith.constant 1 : i32
    %add3A_25 = arith.addi %add3A_23, %add3A_24 : i32
    %dma_start3A_26 = arith.constant 0 : i32
    %dma_start3A_27 = arith.constant 0 : i32
    %dma_start3A_28 = tpu.memref_slice %arg2[%add3A_25, %dma_start3A_26, %dma_start3A_27] : memref<64x256x256xf32, #tpu.memory_space<hbm>> -> memref<1x256x256xf32, #tpu.memory_space<hbm>>
    %dma_start3A_29 = tpu.memref_squeeze %dma_start3A_28 : memref<1x256x256xf32, #tpu.memory_space<hbm>> -> memref<256x256xf32, #tpu.memory_space<hbm>>
    %dma_start3A_30 = arith.constant 0 : i32
    %dma_start3A_31 = arith.constant 0 : i32
    %dma_start3A_32 = tpu.memref_slice %arg2[%add3A_25, %dma_start3A_30, %dma_start3A_31] : memref<64x256x256xf32, #tpu.memory_space<hbm>> -> memref<1x256x256xf32, #tpu.memory_space<hbm>>
    %dma_start3A_33 = tpu.memref_squeeze %dma_start3A_32 : memref<1x256x256xf32, #tpu.memory_space<hbm>> -> memref<256x256xf32, #tpu.memory_space<hbm>>
    tpu.enqueue_dma source(%dma_start3A_33 : memref<256x256xf32, #tpu.memory_space<hbm>>) target(%arg8 : memref<256x256xf32, #tpu.memory_space<vmem>>) target_semaphore(%arg15 : memref<!tpu.dma_semaphore, #tpu.memory_space<semaphore_mem>>)
    %add3A_34 = arith.constant 0 : i32
    %add3A_35 = arith.addi %mul3A_2, %add3A_34 : i32
    "tpu.region"() ({
      %run_scoped3A = tpu.sem_alloc : memref<!tpu.dma_semaphore, #tpu.memory_space<semaphore_mem>>
      %dma_start3A_49 = arith.constant 0 : i32
      %dma_start3A_50 = tpu.memref_slice %arg7[%add3A_35, %dma_start3A_49] : memref<64x8192xf32, #tpu.memory_space<hbm>> -> memref<1x8192xf32, #tpu.memory_space<hbm>>
      %dma_start3A_51 = tpu.memref_squeeze %dma_start3A_50 : memref<1x8192xf32, #tpu.memory_space<hbm>> -> memref<8192xf32, #tpu.memory_space<hbm>>
      %dma_start3A_52 = arith.constant 0 : i32
      %dma_start3A_53 = tpu.memref_slice %arg7[%add3A_35, %dma_start3A_52] : memref<64x8192xf32, #tpu.memory_space<hbm>> -> memref<1x8192xf32, #tpu.memory_space<hbm>>
      %dma_start3A_54 = tpu.memref_squeeze %dma_start3A_53 : memref<1x8192xf32, #tpu.memory_space<hbm>> -> memref<8192xf32, #tpu.memory_space<hbm>>
      tpu.enqueue_dma source(%arg9 : memref<8192xf32, #tpu.memory_space<vmem>>) target(%dma_start3A_54 : memref<8192xf32, #tpu.memory_space<hbm>>) target_semaphore(%run_scoped3A : memref<!tpu.dma_semaphore, #tpu.memory_space<semaphore_mem>>)
      %dma_wait3A_55 = arith.constant 0 : i32
      %dma_wait3A_56 = tpu.memref_slice %arg7[%add3A_35, %dma_wait3A_55] : memref<64x8192xf32, #tpu.memory_space<hbm>> -> memref<1x8192xf32, #tpu.memory_space<hbm>>
      %dma_wait3A_57 = tpu.memref_squeeze %dma_wait3A_56 : memref<1x8192xf32, #tpu.memory_space<hbm>> -> memref<8192xf32, #tpu.memory_space<hbm>>
      %dma_wait3A_58 = arith.constant 0 : i32
      %dma_wait3A_59 = tpu.memref_slice %arg7[%add3A_35, %dma_wait3A_58] : memref<64x8192xf32, #tpu.memory_space<hbm>> -> memref<1x8192xf32, #tpu.memory_space<hbm>>
      %dma_wait3A_60 = tpu.memref_squeeze %dma_wait3A_59 : memref<1x8192xf32, #tpu.memory_space<hbm>> -> memref<8192xf32, #tpu.memory_space<hbm>>
      tpu.wait_dma2 semaphore(%run_scoped3A : memref<!tpu.dma_semaphore, #tpu.memory_space<semaphore_mem>>) src(%arg9 : memref<8192xf32, #tpu.memory_space<vmem>>) dst(%dma_wait3A_60 : memref<8192xf32, #tpu.memory_space<hbm>>)
      tpu.yield
    }) : () -> ()
    %dma_wait3A_36 = arith.constant 0 : i32
    %dma_wait3A_37 = arith.constant 0 : i32
    %dma_wait3A_38 = tpu.memref_slice %arg2[%add3A_25, %dma_wait3A_36, %dma_wait3A_37] : memref<64x256x256xf32, #tpu.memory_space<hbm>> -> memref<1x256x256xf32, #tpu.memory_space<hbm>>
    %dma_wait3A_39 = tpu.memref_squeeze %dma_wait3A_38 : memref<1x256x256xf32, #tpu.memory_space<hbm>> -> memref<256x256xf32, #tpu.memory_space<hbm>>
    %dma_wait3A_40 = arith.constant 0 : i32
    %dma_wait3A_41 = arith.constant 0 : i32
    %dma_wait3A_42 = tpu.memref_slice %arg2[%add3A_25, %dma_wait3A_40, %dma_wait3A_41] : memref<64x256x256xf32, #tpu.memory_space<hbm>> -> memref<1x256x256xf32, #tpu.memory_space<hbm>>
    %dma_wait3A_43 = tpu.memref_squeeze %dma_wait3A_42 : memref<1x256x256xf32, #tpu.memory_space<hbm>> -> memref<256x256xf32, #tpu.memory_space<hbm>>
    tpu.wait_dma2 semaphore(%arg15 : memref<!tpu.dma_semaphore, #tpu.memory_space<semaphore_mem>>) src(%dma_wait3A_43 : memref<256x256xf32, #tpu.memory_space<hbm>>) dst(%arg8 : memref<256x256xf32, #tpu.memory_space<vmem>>)
    %parallel_loop3A_44 = arith.constant 0 : i32
    %parallel_loop3A_45 = arith.constant 512 : i32
    %parallel_loop3A_46 = arith.constant 1 : i32
    scf.for %parallel_loop3A_49 = %parallel_loop3A_44 to %parallel_loop3A_45 step %parallel_loop3A_46  : i32 {
      %parallel_loop3A_50 = arith.constant 16 : i32
      %parallel_loop3A_51 = arith.muli %parallel_loop3A_49, %parallel_loop3A_50 : i32
      %parallel_loop3A_52 = arith.index_cast %parallel_loop3A_51 : i32 to index
      %parallel_loop3A_53 = tpu.vector_load %arg10[%parallel_loop3A_52] {strides = array<i32>} : memref<8192xi32, #tpu.memory_space<vmem>>, vector<16xi32>,
      %parallel_loop3A_54 = arith.index_cast %parallel_loop3A_51 : i32 to index
      %parallel_loop3A_55 = tpu.vector_load %arg11[%parallel_loop3A_54] {strides = array<i32>} : memref<8192xi32, #tpu.memory_space<vmem>>, vector<16xi32>,
      %parallel_loop3A_56 = tpu.vector_load_idx %arg8[%parallel_loop3A_53, %parallel_loop3A_55] : memref<256x256xf32, #tpu.memory_space<vmem>>[vector<16xi32>, vector<16xi32>], vector<16xf32>,
      %parallel_loop3A_57 = arith.index_cast %parallel_loop3A_51 : i32 to index
      %parallel_loop3A_58 = tpu.vector_load %arg13[%parallel_loop3A_57] {strides = array<i32>} : memref<8192xf32, #tpu.memory_space<vmem>>, vector<16xf32>,
      %parallel_loop3A_59 = arith.addf %parallel_loop3A_56, %parallel_loop3A_58 : vector<16xf32>
      %parallel_loop3A_60 = arith.index_cast %parallel_loop3A_51 : i32 to index
      %parallel_loop3A_61 = tpu.vector_load %arg9[%parallel_loop3A_60] {strides = array<i32>} : memref<8192xf32, #tpu.memory_space<vmem>>, vector<16xf32>,
      tpu.vector_store %arg9[%parallel_loop3A_60], %parallel_loop3A_59 {strides = array<i32>} : memref<8192xf32, #tpu.memory_space<vmem>>, vector<16xf32>,
    } {sc.loop_unroll_factor = 16 : i64, sc.parallel_access}
    %add3A_47 = arith.constant 1 : i32
    %add3A_48 = arith.addi %mul3A_2, %add3A_47 : i32
    "tpu.region"() ({
      %run_scoped3A = tpu.sem_alloc : memref<!tpu.dma_semaphore, #tpu.memory_space<semaphore_mem>>
      %dma_start3A_49 = arith.constant 0 : i32
      %dma_start3A_50 = tpu.memref_slice %arg7[%add3A_48, %dma_start3A_49] : memref<64x8192xf32, #tpu.memory_space<hbm>> -> memref<1x8192xf32, #tpu.memory_space<hbm>>
      %dma_start3A_51 = tpu.memref_squeeze %dma_start3A_50 : memref<1x8192xf32, #tpu.memory_space<hbm>> -> memref<8192xf32, #tpu.memory_space<hbm>>
      %dma_start3A_52 = arith.constant 0 : i32
      %dma_start3A_53 = tpu.memref_slice %arg7[%add3A_48, %dma_start3A_52] : memref<64x8192xf32, #tpu.memory_space<hbm>> -> memref<1x8192xf32, #tpu.memory_space<hbm>>
      %dma_start3A_54 = tpu.memref_squeeze %dma_start3A_53 : memref<1x8192xf32, #tpu.memory_space<hbm>> -> memref<8192xf32, #tpu.memory_space<hbm>>
      tpu.enqueue_dma source(%arg9 : memref<8192xf32, #tpu.memory_space<vmem>>) target(%dma_start3A_54 : memref<8192xf32, #tpu.memory_space<hbm>>) target_semaphore(%run_scoped3A : memref<!tpu.dma_semaphore, #tpu.memory_space<semaphore_mem>>)
      %dma_wait3A_55 = arith.constant 0 : i32
      %dma_wait3A_56 = tpu.memref_slice %arg7[%add3A_48, %dma_wait3A_55] : memref<64x8192xf32, #tpu.memory_space<hbm>> -> memref<1x8192xf32, #tpu.memory_space<hbm>>
      %dma_wait3A_57 = tpu.memref_squeeze %dma_wait3A_56 : memref<1x8192xf32, #tpu.memory_space<hbm>> -> memref<8192xf32, #tpu.memory_space<hbm>>
      %dma_wait3A_58 = arith.constant 0 : i32
      %dma_wait3A_59 = tpu.memref_slice %arg7[%add3A_48, %dma_wait3A_58] : memref<64x8192xf32, #tpu.memory_space<hbm>> -> memref<1x8192xf32, #tpu.memory_space<hbm>>
      %dma_wait3A_60 = tpu.memref_squeeze %dma_wait3A_59 : memref<1x8192xf32, #tpu.memory_space<hbm>> -> memref<8192xf32, #tpu.memory_space<hbm>>
      tpu.wait_dma2 semaphore(%run_scoped3A : memref<!tpu.dma_semaphore, #tpu.memory_space<semaphore_mem>>) src(%arg9 : memref<8192xf32, #tpu.memory_space<vmem>>) dst(%dma_wait3A_60 : memref<8192xf32, #tpu.memory_space<hbm>>)
      tpu.yield
    }) : () -> ()
    return
  }
}

module attributes {stable_mosaic.version = 14 : i64} {
  func.func @_tc_gram_body(%arg0: i32, %arg1: memref<16x256x256xf32, #tpu.memory_space<vmem>>, %arg2: memref<256x256xf32, #tpu.memory_space<vmem>>, %arg3: memref<256x128xf32, #tpu.memory_space<vmem>>, %arg4: memref<1x64xf32, #tpu.memory_space<vmem>>, %arg5: memref<1x64xf32, #tpu.memory_space<vmem>>, %arg6: memref<16x256x256xf32, #tpu.memory_space<vmem>>) attributes {dimension_semantics = [#tpu.dimension_semantics<arbitrary>], iteration_bounds = array<i64: 4>, scalar_prefetch = 0 : i64, scratch_operands = 0 : i64, tpu.core_type = #tpu.core_type<tc>, window_params = [{transform_indices = @transform_0, window_bounds = array<i64: 16, 256, 256>}, {pipeline_mode = #tpu.pipeline_mode<synchronous>, transform_indices = @transform_1, window_bounds = array<i64: 256, 256>}, {pipeline_mode = #tpu.pipeline_mode<synchronous>, transform_indices = @transform_2, window_bounds = array<i64: 256, 128>}, {pipeline_mode = #tpu.pipeline_mode<synchronous>, transform_indices = @transform_3, window_bounds = array<i64: 1, 64>}, {pipeline_mode = #tpu.pipeline_mode<synchronous>, transform_indices = @transform_4, window_bounds = array<i64: 1, 64>}, {transform_indices = @transform_5, window_bounds = array<i64: 16, 256, 256>}]} {
    %get3A = arith.constant 0 : index
    %get3A_0 = arith.constant 0 : index
    %get3A_1 = arith.constant 0 : index
    %get3A_2 = vector.load %arg1[%get3A, %get3A_0, %get3A_1] : memref<16x256x256xf32, #tpu.memory_space<vmem>>, vector<1x256x256xf32>
    %get3A_3 = vector.shape_cast %get3A_2 : vector<1x256x256xf32> to vector<256x256xf32>
    %get3A_4 = arith.constant 0 : index
    %get3A_5 = arith.constant 0 : index
    %get3A_6 = vector.load %arg2[%get3A_4, %get3A_5] : memref<256x256xf32, #tpu.memory_space<vmem>>, vector<256x256xf32>
    %mul3A = arith.mulf %get3A_3, %get3A_6 : vector<256x256xf32>
    %get3A_7 = arith.constant 0 : index
    %get3A_8 = arith.constant 0 : index
    %get3A_9 = vector.load %arg3[%get3A_7, %get3A_8] : memref<256x128xf32, #tpu.memory_space<vmem>>, vector<256x128xf32>
    %dot_general3A = arith.constant dense<0.000000e+00> : vector<256x128xf32>
    %dot_general3A_10 = tpu.matmul %mul3A, %get3A_9, %dot_general3A {dimension_numbers = #tpu.dot_dimension_numbers<[1], [0], [0], [1], [0, 0, 1, 1], [], []>, transpose_lhs_hint = false} : vector<256x256xf32>, vector<256x128xf32>, vector<256x128xf32> -> vector<256x128xf32>
    %mul3A_11 = arith.mulf %get3A_3, %get3A_3 : vector<256x256xf32>
    %reduce_sum3A = vector.shape_cast %mul3A_11 : vector<256x256xf32> to vector<1x256x256xf32>
    %reduce_sum3A_12 = arith.constant dense<0.000000e+00> : vector<1xf32>
    %reduce_sum3A_13 = vector.multi_reduction <add>, %reduce_sum3A, %reduce_sum3A_12 [1, 2] : vector<1x256x256xf32> to vector<1xf32>
    %reduce_sum3A_14 = vector.shape_cast %reduce_sum3A_13 : vector<1xf32> to vector<1x1x1xf32>
    %reduce_sum3A_15 = vector.extract %reduce_sum3A_14[0, 0, 0] : f32 from vector<1x1x1xf32>
    %div3A = arith.constant 6.553600e+04 : f32
    %div3A_16 = arith.divf %reduce_sum3A_15, %div3A : f32
    %add3A = arith.constant 9.99999997E-7 : f32
    %add3A_17 = arith.addf %div3A_16, %add3A : f32
    %rsqrt3A = math.rsqrt %add3A_17 : f32
    %slice3A = vector.extract_strided_slice %dot_general3A_10 {offsets = [0, 0], sizes = [256, 64], strides = [1, 1]} : vector<256x128xf32> to vector<256x64xf32>
    %mul3A_18 = vector.broadcast %rsqrt3A : f32 to vector<256x64xf32>
    %mul3A_19 = arith.mulf %slice3A, %mul3A_18 : vector<256x64xf32>
    %get3A_20 = arith.constant 0 : index
    %get3A_21 = arith.constant 0 : index
    %get3A_22 = vector.load %arg4[%get3A_20, %get3A_21] : memref<1x64xf32, #tpu.memory_space<vmem>>, vector<1x64xf32>
    %add3A_23 = vector.broadcast %get3A_22 : vector<1x64xf32> to vector<256x64xf32>
    %add3A_24 = arith.addf %mul3A_19, %add3A_23 : vector<256x64xf32>
    %slice3A_25 = vector.extract_strided_slice %dot_general3A_10 {offsets = [0, 64], sizes = [256, 64], strides = [1, 1]} : vector<256x128xf32> to vector<256x64xf32>
    %mul3A_26 = vector.broadcast %rsqrt3A : f32 to vector<256x64xf32>
    %mul3A_27 = arith.mulf %slice3A_25, %mul3A_26 : vector<256x64xf32>
    %get3A_28 = arith.constant 0 : index
    %get3A_29 = arith.constant 0 : index
    %get3A_30 = vector.load %arg5[%get3A_28, %get3A_29] : memref<1x64xf32, #tpu.memory_space<vmem>>, vector<1x64xf32>
    %add3A_31 = vector.broadcast %get3A_30 : vector<1x64xf32> to vector<256x64xf32>
    %add3A_32 = arith.addf %mul3A_27, %add3A_31 : vector<256x64xf32>
    %dot_general3A_33 = arith.constant dense<0.000000e+00> : vector<256x256xf32>
    %dot_general3A_34 = tpu.matmul %add3A_24, %add3A_32, %dot_general3A_33 {dimension_numbers = #tpu.dot_dimension_numbers<[1], [1], [0], [0], [0, 0, 1, 0], [], []>, transpose_lhs_hint = false} : vector<256x64xf32>, vector<256x64xf32>, vector<256x256xf32> -> vector<256x256xf32>
    %swap3A = arith.constant 0 : index
    %swap3A_35 = arith.constant 0 : index
    %swap3A_36 = arith.constant 0 : index
    %swap3A_37 = vector.load %arg6[%swap3A, %swap3A_35, %swap3A_36] : memref<16x256x256xf32, #tpu.memory_space<vmem>>, vector<1x256x256xf32>
    %swap3A_38 = vector.shape_cast %swap3A_37 : vector<1x256x256xf32> to vector<256x256xf32>
    %swap3A_39 = vector.shape_cast %dot_general3A_34 : vector<256x256xf32> to vector<1x256x256xf32>
    tpu.vector_store %arg6[%swap3A, %swap3A_35, %swap3A_36], %swap3A_39 {strides = array<i32>} : memref<16x256x256xf32, #tpu.memory_space<vmem>>, vector<1x256x256xf32>,
    %get3A_40 = arith.constant 1 : index
    %get3A_41 = arith.constant 0 : index
    %get3A_42 = arith.constant 0 : index
    %get3A_43 = vector.load %arg1[%get3A_40, %get3A_41, %get3A_42] : memref<16x256x256xf32, #tpu.memory_space<vmem>>, vector<1x256x256xf32>
    %get3A_44 = vector.shape_cast %get3A_43 : vector<1x256x256xf32> to vector<256x256xf32>
    %get3A_45 = arith.constant 0 : index
    %get3A_46 = arith.constant 0 : index
    %get3A_47 = vector.load %arg2[%get3A_45, %get3A_46] : memref<256x256xf32, #tpu.memory_space<vmem>>, vector<256x256xf32>
    %mul3A_48 = arith.mulf %get3A_44, %get3A_47 : vector<256x256xf32>
    %get3A_49 = arith.constant 0 : index
    %get3A_50 = arith.constant 0 : index
    %get3A_51 = vector.load %arg3[%get3A_49, %get3A_50] : memref<256x128xf32, #tpu.memory_space<vmem>>, vector<256x128xf32>
    %dot_general3A_52 = arith.constant dense<0.000000e+00> : vector<256x128xf32>
    %dot_general3A_53 = tpu.matmul %mul3A_48, %get3A_51, %dot_general3A_52 {dimension_numbers = #tpu.dot_dimension_numbers<[1], [0], [0], [1], [0, 0, 1, 1], [], []>, transpose_lhs_hint = false} : vector<256x256xf32>, vector<256x128xf32>, vector<256x128xf32> -> vector<256x128xf32>
    %mul3A_54 = arith.mulf %get3A_44, %get3A_44 : vector<256x256xf32>
    %reduce_sum3A_55 = vector.shape_cast %mul3A_54 : vector<256x256xf32> to vector<1x256x256xf32>
    %reduce_sum3A_56 = arith.constant dense<0.000000e+00> : vector<1xf32>
    %reduce_sum3A_57 = vector.multi_reduction <add>, %reduce_sum3A_55, %reduce_sum3A_56 [1, 2] : vector<1x256x256xf32> to vector<1xf32>
    %reduce_sum3A_58 = vector.shape_cast %reduce_sum3A_57 : vector<1xf32> to vector<1x1x1xf32>
    %reduce_sum3A_59 = vector.extract %reduce_sum3A_58[0, 0, 0] : f32 from vector<1x1x1xf32>
    %div3A_60 = arith.constant 6.553600e+04 : f32
    %div3A_61 = arith.divf %reduce_sum3A_59, %div3A_60 : f32
    %add3A_62 = arith.constant 9.99999997E-7 : f32
    %add3A_63 = arith.addf %div3A_61, %add3A_62 : f32
    %rsqrt3A_64 = math.rsqrt %add3A_63 : f32
    %slice3A_65 = vector.extract_strided_slice %dot_general3A_53 {offsets = [0, 0], sizes = [256, 64], strides = [1, 1]} : vector<256x128xf32> to vector<256x64xf32>
    %mul3A_66 = vector.broadcast %rsqrt3A_64 : f32 to vector<256x64xf32>
    %mul3A_67 = arith.mulf %slice3A_65, %mul3A_66 : vector<256x64xf32>
    %get3A_68 = arith.constant 0 : index
    %get3A_69 = arith.constant 0 : index
    %get3A_70 = vector.load %arg4[%get3A_68, %get3A_69] : memref<1x64xf32, #tpu.memory_space<vmem>>, vector<1x64xf32>
    %add3A_71 = vector.broadcast %get3A_70 : vector<1x64xf32> to vector<256x64xf32>
    %add3A_72 = arith.addf %mul3A_67, %add3A_71 : vector<256x64xf32>
    %slice3A_73 = vector.extract_strided_slice %dot_general3A_53 {offsets = [0, 64], sizes = [256, 64], strides = [1, 1]} : vector<256x128xf32> to vector<256x64xf32>
    %mul3A_74 = vector.broadcast %rsqrt3A_64 : f32 to vector<256x64xf32>
    %mul3A_75 = arith.mulf %slice3A_73, %mul3A_74 : vector<256x64xf32>
    %get3A_76 = arith.constant 0 : index
    %get3A_77 = arith.constant 0 : index
    %get3A_78 = vector.load %arg5[%get3A_76, %get3A_77] : memref<1x64xf32, #tpu.memory_space<vmem>>, vector<1x64xf32>
    %add3A_79 = vector.broadcast %get3A_78 : vector<1x64xf32> to vector<256x64xf32>
    %add3A_80 = arith.addf %mul3A_75, %add3A_79 : vector<256x64xf32>
    %dot_general3A_81 = arith.constant dense<0.000000e+00> : vector<256x256xf32>
    %dot_general3A_82 = tpu.matmul %add3A_72, %add3A_80, %dot_general3A_81 {dimension_numbers = #tpu.dot_dimension_numbers<[1], [1], [0], [0], [0, 0, 1, 0], [], []>, transpose_lhs_hint = false} : vector<256x64xf32>, vector<256x64xf32>, vector<256x256xf32> -> vector<256x256xf32>
    %swap3A_83 = arith.constant 1 : index
    %swap3A_84 = arith.constant 0 : index
    %swap3A_85 = arith.constant 0 : index
    %swap3A_86 = vector.load %arg6[%swap3A_83, %swap3A_84, %swap3A_85] : memref<16x256x256xf32, #tpu.memory_space<vmem>>, vector<1x256x256xf32>
    %swap3A_87 = vector.shape_cast %swap3A_86 : vector<1x256x256xf32> to vector<256x256xf32>
    %swap3A_88 = vector.shape_cast %dot_general3A_82 : vector<256x256xf32> to vector<1x256x256xf32>
    tpu.vector_store %arg6[%swap3A_83, %swap3A_84, %swap3A_85], %swap3A_88 {strides = array<i32>} : memref<16x256x256xf32, #tpu.memory_space<vmem>>, vector<1x256x256xf32>,
    %get3A_89 = arith.constant 2 : index
    %get3A_90 = arith.constant 0 : index
    %get3A_91 = arith.constant 0 : index
    %get3A_92 = vector.load %arg1[%get3A_89, %get3A_90, %get3A_91] : memref<16x256x256xf32, #tpu.memory_space<vmem>>, vector<1x256x256xf32>
    %get3A_93 = vector.shape_cast %get3A_92 : vector<1x256x256xf32> to vector<256x256xf32>
    %get3A_94 = arith.constant 0 : index
    %get3A_95 = arith.constant 0 : index
    %get3A_96 = vector.load %arg2[%get3A_94, %get3A_95] : memref<256x256xf32, #tpu.memory_space<vmem>>, vector<256x256xf32>
    %mul3A_97 = arith.mulf %get3A_93, %get3A_96 : vector<256x256xf32>
    %get3A_98 = arith.constant 0 : index
    %get3A_99 = arith.constant 0 : index
    %get3A_100 = vector.load %arg3[%get3A_98, %get3A_99] : memref<256x128xf32, #tpu.memory_space<vmem>>, vector<256x128xf32>
    %dot_general3A_101 = arith.constant dense<0.000000e+00> : vector<256x128xf32>
    %dot_general3A_102 = tpu.matmul %mul3A_97, %get3A_100, %dot_general3A_101 {dimension_numbers = #tpu.dot_dimension_numbers<[1], [0], [0], [1], [0, 0, 1, 1], [], []>, transpose_lhs_hint = false} : vector<256x256xf32>, vector<256x128xf32>, vector<256x128xf32> -> vector<256x128xf32>
    %mul3A_103 = arith.mulf %get3A_93, %get3A_93 : vector<256x256xf32>
    %reduce_sum3A_104 = vector.shape_cast %mul3A_103 : vector<256x256xf32> to vector<1x256x256xf32>
    %reduce_sum3A_105 = arith.constant dense<0.000000e+00> : vector<1xf32>
    %reduce_sum3A_106 = vector.multi_reduction <add>, %reduce_sum3A_104, %reduce_sum3A_105 [1, 2] : vector<1x256x256xf32> to vector<1xf32>
    %reduce_sum3A_107 = vector.shape_cast %reduce_sum3A_106 : vector<1xf32> to vector<1x1x1xf32>
    %reduce_sum3A_108 = vector.extract %reduce_sum3A_107[0, 0, 0] : f32 from vector<1x1x1xf32>
    %div3A_109 = arith.constant 6.553600e+04 : f32
    %div3A_110 = arith.divf %reduce_sum3A_108, %div3A_109 : f32
    %add3A_111 = arith.constant 9.99999997E-7 : f32
    %add3A_112 = arith.addf %div3A_110, %add3A_111 : f32
    %rsqrt3A_113 = math.rsqrt %add3A_112 : f32
    %slice3A_114 = vector.extract_strided_slice %dot_general3A_102 {offsets = [0, 0], sizes = [256, 64], strides = [1, 1]} : vector<256x128xf32> to vector<256x64xf32>
    %mul3A_115 = vector.broadcast %rsqrt3A_113 : f32 to vector<256x64xf32>
    %mul3A_116 = arith.mulf %slice3A_114, %mul3A_115 : vector<256x64xf32>
    %get3A_117 = arith.constant 0 : index
    %get3A_118 = arith.constant 0 : index
    %get3A_119 = vector.load %arg4[%get3A_117, %get3A_118] : memref<1x64xf32, #tpu.memory_space<vmem>>, vector<1x64xf32>
    %add3A_120 = vector.broadcast %get3A_119 : vector<1x64xf32> to vector<256x64xf32>
    %add3A_121 = arith.addf %mul3A_116, %add3A_120 : vector<256x64xf32>
    %slice3A_122 = vector.extract_strided_slice %dot_general3A_102 {offsets = [0, 64], sizes = [256, 64], strides = [1, 1]} : vector<256x128xf32> to vector<256x64xf32>
    %mul3A_123 = vector.broadcast %rsqrt3A_113 : f32 to vector<256x64xf32>
    %mul3A_124 = arith.mulf %slice3A_122, %mul3A_123 : vector<256x64xf32>
    %get3A_125 = arith.constant 0 : index
    %get3A_126 = arith.constant 0 : index
    %get3A_127 = vector.load %arg5[%get3A_125, %get3A_126] : memref<1x64xf32, #tpu.memory_space<vmem>>, vector<1x64xf32>
    %add3A_128 = vector.broadcast %get3A_127 : vector<1x64xf32> to vector<256x64xf32>
    %add3A_129 = arith.addf %mul3A_124, %add3A_128 : vector<256x64xf32>
    %dot_general3A_130 = arith.constant dense<0.000000e+00> : vector<256x256xf32>
    %dot_general3A_131 = tpu.matmul %add3A_121, %add3A_129, %dot_general3A_130 {dimension_numbers = #tpu.dot_dimension_numbers<[1], [1], [0], [0], [0, 0, 1, 0], [], []>, transpose_lhs_hint = false} : vector<256x64xf32>, vector<256x64xf32>, vector<256x256xf32> -> vector<256x256xf32>
    %swap3A_132 = arith.constant 2 : index
    %swap3A_133 = arith.constant 0 : index
    %swap3A_134 = arith.constant 0 : index
    %swap3A_135 = vector.load %arg6[%swap3A_132, %swap3A_133, %swap3A_134] : memref<16x256x256xf32, #tpu.memory_space<vmem>>, vector<1x256x256xf32>
    %swap3A_136 = vector.shape_cast %swap3A_135 : vector<1x256x256xf32> to vector<256x256xf32>
    %swap3A_137 = vector.shape_cast %dot_general3A_131 : vector<256x256xf32> to vector<1x256x256xf32>
    tpu.vector_store %arg6[%swap3A_132, %swap3A_133, %swap3A_134], %swap3A_137 {strides = array<i32>} : memref<16x256x256xf32, #tpu.memory_space<vmem>>, vector<1x256x256xf32>,
    %get3A_138 = arith.constant 3 : index
    %get3A_139 = arith.constant 0 : index
    %get3A_140 = arith.constant 0 : index
    %get3A_141 = vector.load %arg1[%get3A_138, %get3A_139, %get3A_140] : memref<16x256x256xf32, #tpu.memory_space<vmem>>, vector<1x256x256xf32>
    %get3A_142 = vector.shape_cast %get3A_141 : vector<1x256x256xf32> to vector<256x256xf32>
    %get3A_143 = arith.constant 0 : index
    %get3A_144 = arith.constant 0 : index
    %get3A_145 = vector.load %arg2[%get3A_143, %get3A_144] : memref<256x256xf32, #tpu.memory_space<vmem>>, vector<256x256xf32>
    %mul3A_146 = arith.mulf %get3A_142, %get3A_145 : vector<256x256xf32>
    %get3A_147 = arith.constant 0 : index
    %get3A_148 = arith.constant 0 : index
    %get3A_149 = vector.load %arg3[%get3A_147, %get3A_148] : memref<256x128xf32, #tpu.memory_space<vmem>>, vector<256x128xf32>
    %dot_general3A_150 = arith.constant dense<0.000000e+00> : vector<256x128xf32>
    %dot_general3A_151 = tpu.matmul %mul3A_146, %get3A_149, %dot_general3A_150 {dimension_numbers = #tpu.dot_dimension_numbers<[1], [0], [0], [1], [0, 0, 1, 1], [], []>, transpose_lhs_hint = false} : vector<256x256xf32>, vector<256x128xf32>, vector<256x128xf32> -> vector<256x128xf32>
    %mul3A_152 = arith.mulf %get3A_142, %get3A_142 : vector<256x256xf32>
    %reduce_sum3A_153 = vector.shape_cast %mul3A_152 : vector<256x256xf32> to vector<1x256x256xf32>
    %reduce_sum3A_154 = arith.constant dense<0.000000e+00> : vector<1xf32>
    %reduce_sum3A_155 = vector.multi_reduction <add>, %reduce_sum3A_153, %reduce_sum3A_154 [1, 2] : vector<1x256x256xf32> to vector<1xf32>
    %reduce_sum3A_156 = vector.shape_cast %reduce_sum3A_155 : vector<1xf32> to vector<1x1x1xf32>
    %reduce_sum3A_157 = vector.extract %reduce_sum3A_156[0, 0, 0] : f32 from vector<1x1x1xf32>
    %div3A_158 = arith.constant 6.553600e+04 : f32
    %div3A_159 = arith.divf %reduce_sum3A_157, %div3A_158 : f32
    %add3A_160 = arith.constant 9.99999997E-7 : f32
    %add3A_161 = arith.addf %div3A_159, %add3A_160 : f32
    %rsqrt3A_162 = math.rsqrt %add3A_161 : f32
    %slice3A_163 = vector.extract_strided_slice %dot_general3A_151 {offsets = [0, 0], sizes = [256, 64], strides = [1, 1]} : vector<256x128xf32> to vector<256x64xf32>
    %mul3A_164 = vector.broadcast %rsqrt3A_162 : f32 to vector<256x64xf32>
    %mul3A_165 = arith.mulf %slice3A_163, %mul3A_164 : vector<256x64xf32>
    %get3A_166 = arith.constant 0 : index
    %get3A_167 = arith.constant 0 : index
    %get3A_168 = vector.load %arg4[%get3A_166, %get3A_167] : memref<1x64xf32, #tpu.memory_space<vmem>>, vector<1x64xf32>
    %add3A_169 = vector.broadcast %get3A_168 : vector<1x64xf32> to vector<256x64xf32>
    %add3A_170 = arith.addf %mul3A_165, %add3A_169 : vector<256x64xf32>
    %slice3A_171 = vector.extract_strided_slice %dot_general3A_151 {offsets = [0, 64], sizes = [256, 64], strides = [1, 1]} : vector<256x128xf32> to vector<256x64xf32>
    %mul3A_172 = vector.broadcast %rsqrt3A_162 : f32 to vector<256x64xf32>
    %mul3A_173 = arith.mulf %slice3A_171, %mul3A_172 : vector<256x64xf32>
    %get3A_174 = arith.constant 0 : index
    %get3A_175 = arith.constant 0 : index
    %get3A_176 = vector.load %arg5[%get3A_174, %get3A_175] : memref<1x64xf32, #tpu.memory_space<vmem>>, vector<1x64xf32>
    %add3A_177 = vector.broadcast %get3A_176 : vector<1x64xf32> to vector<256x64xf32>
    %add3A_178 = arith.addf %mul3A_173, %add3A_177 : vector<256x64xf32>
    %dot_general3A_179 = arith.constant dense<0.000000e+00> : vector<256x256xf32>
    %dot_general3A_180 = tpu.matmul %add3A_170, %add3A_178, %dot_general3A_179 {dimension_numbers = #tpu.dot_dimension_numbers<[1], [1], [0], [0], [0, 0, 1, 0], [], []>, transpose_lhs_hint = false} : vector<256x64xf32>, vector<256x64xf32>, vector<256x256xf32> -> vector<256x256xf32>
    %swap3A_181 = arith.constant 3 : index
    %swap3A_182 = arith.constant 0 : index
    %swap3A_183 = arith.constant 0 : index
    %swap3A_184 = vector.load %arg6[%swap3A_181, %swap3A_182, %swap3A_183] : memref<16x256x256xf32, #tpu.memory_space<vmem>>, vector<1x256x256xf32>
    %swap3A_185 = vector.shape_cast %swap3A_184 : vector<1x256x256xf32> to vector<256x256xf32>
    %swap3A_186 = vector.shape_cast %dot_general3A_180 : vector<256x256xf32> to vector<1x256x256xf32>
    tpu.vector_store %arg6[%swap3A_181, %swap3A_182, %swap3A_183], %swap3A_186 {strides = array<i32>} : memref<16x256x256xf32, #tpu.memory_space<vmem>>, vector<1x256x256xf32>,
    %get3A_187 = arith.constant 4 : index
    %get3A_188 = arith.constant 0 : index
    %get3A_189 = arith.constant 0 : index
    %get3A_190 = vector.load %arg1[%get3A_187, %get3A_188, %get3A_189] : memref<16x256x256xf32, #tpu.memory_space<vmem>>, vector<1x256x256xf32>
    %get3A_191 = vector.shape_cast %get3A_190 : vector<1x256x256xf32> to vector<256x256xf32>
    %get3A_192 = arith.constant 0 : index
    %get3A_193 = arith.constant 0 : index
    %get3A_194 = vector.load %arg2[%get3A_192, %get3A_193] : memref<256x256xf32, #tpu.memory_space<vmem>>, vector<256x256xf32>
    %mul3A_195 = arith.mulf %get3A_191, %get3A_194 : vector<256x256xf32>
    %get3A_196 = arith.constant 0 : index
    %get3A_197 = arith.constant 0 : index
    %get3A_198 = vector.load %arg3[%get3A_196, %get3A_197] : memref<256x128xf32, #tpu.memory_space<vmem>>, vector<256x128xf32>
    %dot_general3A_199 = arith.constant dense<0.000000e+00> : vector<256x128xf32>
    %dot_general3A_200 = tpu.matmul %mul3A_195, %get3A_198, %dot_general3A_199 {dimension_numbers = #tpu.dot_dimension_numbers<[1], [0], [0], [1], [0, 0, 1, 1], [], []>, transpose_lhs_hint = false} : vector<256x256xf32>, vector<256x128xf32>, vector<256x128xf32> -> vector<256x128xf32>
    %mul3A_201 = arith.mulf %get3A_191, %get3A_191 : vector<256x256xf32>
    %reduce_sum3A_202 = vector.shape_cast %mul3A_201 : vector<256x256xf32> to vector<1x256x256xf32>
    %reduce_sum3A_203 = arith.constant dense<0.000000e+00> : vector<1xf32>
    %reduce_sum3A_204 = vector.multi_reduction <add>, %reduce_sum3A_202, %reduce_sum3A_203 [1, 2] : vector<1x256x256xf32> to vector<1xf32>
    %reduce_sum3A_205 = vector.shape_cast %reduce_sum3A_204 : vector<1xf32> to vector<1x1x1xf32>
    %reduce_sum3A_206 = vector.extract %reduce_sum3A_205[0, 0, 0] : f32 from vector<1x1x1xf32>
    %div3A_207 = arith.constant 6.553600e+04 : f32
    %div3A_208 = arith.divf %reduce_sum3A_206, %div3A_207 : f32
    %add3A_209 = arith.constant 9.99999997E-7 : f32
    %add3A_210 = arith.addf %div3A_208, %add3A_209 : f32
    %rsqrt3A_211 = math.rsqrt %add3A_210 : f32
    %slice3A_212 = vector.extract_strided_slice %dot_general3A_200 {offsets = [0, 0], sizes = [256, 64], strides = [1, 1]} : vector<256x128xf32> to vector<256x64xf32>
    %mul3A_213 = vector.broadcast %rsqrt3A_211 : f32 to vector<256x64xf32>
    %mul3A_214 = arith.mulf %slice3A_212, %mul3A_213 : vector<256x64xf32>
    %get3A_215 = arith.constant 0 : index
    %get3A_216 = arith.constant 0 : index
    %get3A_217 = vector.load %arg4[%get3A_215, %get3A_216] : memref<1x64xf32, #tpu.memory_space<vmem>>, vector<1x64xf32>
    %add3A_218 = vector.broadcast %get3A_217 : vector<1x64xf32> to vector<256x64xf32>
    %add3A_219 = arith.addf %mul3A_214, %add3A_218 : vector<256x64xf32>
    %slice3A_220 = vector.extract_strided_slice %dot_general3A_200 {offsets = [0, 64], sizes = [256, 64], strides = [1, 1]} : vector<256x128xf32> to vector<256x64xf32>
    %mul3A_221 = vector.broadcast %rsqrt3A_211 : f32 to vector<256x64xf32>
    %mul3A_222 = arith.mulf %slice3A_220, %mul3A_221 : vector<256x64xf32>
    %get3A_223 = arith.constant 0 : index
    %get3A_224 = arith.constant 0 : index
    %get3A_225 = vector.load %arg5[%get3A_223, %get3A_224] : memref<1x64xf32, #tpu.memory_space<vmem>>, vector<1x64xf32>
    %add3A_226 = vector.broadcast %get3A_225 : vector<1x64xf32> to vector<256x64xf32>
    %add3A_227 = arith.addf %mul3A_222, %add3A_226 : vector<256x64xf32>
    %dot_general3A_228 = arith.constant dense<0.000000e+00> : vector<256x256xf32>
    %dot_general3A_229 = tpu.matmul %add3A_219, %add3A_227, %dot_general3A_228 {dimension_numbers = #tpu.dot_dimension_numbers<[1], [1], [0], [0], [0, 0, 1, 0], [], []>, transpose_lhs_hint = false} : vector<256x64xf32>, vector<256x64xf32>, vector<256x256xf32> -> vector<256x256xf32>
    %swap3A_230 = arith.constant 4 : index
    %swap3A_231 = arith.constant 0 : index
    %swap3A_232 = arith.constant 0 : index
    %swap3A_233 = vector.load %arg6[%swap3A_230, %swap3A_231, %swap3A_232] : memref<16x256x256xf32, #tpu.memory_space<vmem>>, vector<1x256x256xf32>
    %swap3A_234 = vector.shape_cast %swap3A_233 : vector<1x256x256xf32> to vector<256x256xf32>
    %swap3A_235 = vector.shape_cast %dot_general3A_229 : vector<256x256xf32> to vector<1x256x256xf32>
    tpu.vector_store %arg6[%swap3A_230, %swap3A_231, %swap3A_232], %swap3A_235 {strides = array<i32>} : memref<16x256x256xf32, #tpu.memory_space<vmem>>, vector<1x256x256xf32>,
    %get3A_236 = arith.constant 5 : index
    %get3A_237 = arith.constant 0 : index
    %get3A_238 = arith.constant 0 : index
    %get3A_239 = vector.load %arg1[%get3A_236, %get3A_237, %get3A_238] : memref<16x256x256xf32, #tpu.memory_space<vmem>>, vector<1x256x256xf32>
    %get3A_240 = vector.shape_cast %get3A_239 : vector<1x256x256xf32> to vector<256x256xf32>
    %get3A_241 = arith.constant 0 : index
    %get3A_242 = arith.constant 0 : index
    %get3A_243 = vector.load %arg2[%get3A_241, %get3A_242] : memref<256x256xf32, #tpu.memory_space<vmem>>, vector<256x256xf32>
    %mul3A_244 = arith.mulf %get3A_240, %get3A_243 : vector<256x256xf32>
    %get3A_245 = arith.constant 0 : index
    %get3A_246 = arith.constant 0 : index
    %get3A_247 = vector.load %arg3[%get3A_245, %get3A_246] : memref<256x128xf32, #tpu.memory_space<vmem>>, vector<256x128xf32>
    %dot_general3A_248 = arith.constant dense<0.000000e+00> : vector<256x128xf32>
    %dot_general3A_249 = tpu.matmul %mul3A_244, %get3A_247, %dot_general3A_248 {dimension_numbers = #tpu.dot_dimension_numbers<[1], [0], [0], [1], [0, 0, 1, 1], [], []>, transpose_lhs_hint = false} : vector<256x256xf32>, vector<256x128xf32>, vector<256x128xf32> -> vector<256x128xf32>
    %mul3A_250 = arith.mulf %get3A_240, %get3A_240 : vector<256x256xf32>
    %reduce_sum3A_251 = vector.shape_cast %mul3A_250 : vector<256x256xf32> to vector<1x256x256xf32>
    %reduce_sum3A_252 = arith.constant dense<0.000000e+00> : vector<1xf32>
    %reduce_sum3A_253 = vector.multi_reduction <add>, %reduce_sum3A_251, %reduce_sum3A_252 [1, 2] : vector<1x256x256xf32> to vector<1xf32>
    %reduce_sum3A_254 = vector.shape_cast %reduce_sum3A_253 : vector<1xf32> to vector<1x1x1xf32>
    %reduce_sum3A_255 = vector.extract %reduce_sum3A_254[0, 0, 0] : f32 from vector<1x1x1xf32>
    %div3A_256 = arith.constant 6.553600e+04 : f32
    %div3A_257 = arith.divf %reduce_sum3A_255, %div3A_256 : f32
    %add3A_258 = arith.constant 9.99999997E-7 : f32
    %add3A_259 = arith.addf %div3A_257, %add3A_258 : f32
    %rsqrt3A_260 = math.rsqrt %add3A_259 : f32
    %slice3A_261 = vector.extract_strided_slice %dot_general3A_249 {offsets = [0, 0], sizes = [256, 64], strides = [1, 1]} : vector<256x128xf32> to vector<256x64xf32>
    %mul3A_262 = vector.broadcast %rsqrt3A_260 : f32 to vector<256x64xf32>
    %mul3A_263 = arith.mulf %slice3A_261, %mul3A_262 : vector<256x64xf32>
    %get3A_264 = arith.constant 0 : index
    %get3A_265 = arith.constant 0 : index
    %get3A_266 = vector.load %arg4[%get3A_264, %get3A_265] : memref<1x64xf32, #tpu.memory_space<vmem>>, vector<1x64xf32>
    %add3A_267 = vector.broadcast %get3A_266 : vector<1x64xf32> to vector<256x64xf32>
    %add3A_268 = arith.addf %mul3A_263, %add3A_267 : vector<256x64xf32>
    %slice3A_269 = vector.extract_strided_slice %dot_general3A_249 {offsets = [0, 64], sizes = [256, 64], strides = [1, 1]} : vector<256x128xf32> to vector<256x64xf32>
    %mul3A_270 = vector.broadcast %rsqrt3A_260 : f32 to vector<256x64xf32>
    %mul3A_271 = arith.mulf %slice3A_269, %mul3A_270 : vector<256x64xf32>
    %get3A_272 = arith.constant 0 : index
    %get3A_273 = arith.constant 0 : index
    %get3A_274 = vector.load %arg5[%get3A_272, %get3A_273] : memref<1x64xf32, #tpu.memory_space<vmem>>, vector<1x64xf32>
    %add3A_275 = vector.broadcast %get3A_274 : vector<1x64xf32> to vector<256x64xf32>
    %add3A_276 = arith.addf %mul3A_271, %add3A_275 : vector<256x64xf32>
    %dot_general3A_277 = arith.constant dense<0.000000e+00> : vector<256x256xf32>
    %dot_general3A_278 = tpu.matmul %add3A_268, %add3A_276, %dot_general3A_277 {dimension_numbers = #tpu.dot_dimension_numbers<[1], [1], [0], [0], [0, 0, 1, 0], [], []>, transpose_lhs_hint = false} : vector<256x64xf32>, vector<256x64xf32>, vector<256x256xf32> -> vector<256x256xf32>
    %swap3A_279 = arith.constant 5 : index
    %swap3A_280 = arith.constant 0 : index
    %swap3A_281 = arith.constant 0 : index
    %swap3A_282 = vector.load %arg6[%swap3A_279, %swap3A_280, %swap3A_281] : memref<16x256x256xf32, #tpu.memory_space<vmem>>, vector<1x256x256xf32>
    %swap3A_283 = vector.shape_cast %swap3A_282 : vector<1x256x256xf32> to vector<256x256xf32>
    %swap3A_284 = vector.shape_cast %dot_general3A_278 : vector<256x256xf32> to vector<1x256x256xf32>
    tpu.vector_store %arg6[%swap3A_279, %swap3A_280, %swap3A_281], %swap3A_284 {strides = array<i32>} : memref<16x256x256xf32, #tpu.memory_space<vmem>>, vector<1x256x256xf32>,
    %get3A_285 = arith.constant 6 : index
    %get3A_286 = arith.constant 0 : index
    %get3A_287 = arith.constant 0 : index
    %get3A_288 = vector.load %arg1[%get3A_285, %get3A_286, %get3A_287] : memref<16x256x256xf32, #tpu.memory_space<vmem>>, vector<1x256x256xf32>
    %get3A_289 = vector.shape_cast %get3A_288 : vector<1x256x256xf32> to vector<256x256xf32>
    %get3A_290 = arith.constant 0 : index
    %get3A_291 = arith.constant 0 : index
    %get3A_292 = vector.load %arg2[%get3A_290, %get3A_291] : memref<256x256xf32, #tpu.memory_space<vmem>>, vector<256x256xf32>
    %mul3A_293 = arith.mulf %get3A_289, %get3A_292 : vector<256x256xf32>
    %get3A_294 = arith.constant 0 : index
    %get3A_295 = arith.constant 0 : index
    %get3A_296 = vector.load %arg3[%get3A_294, %get3A_295] : memref<256x128xf32, #tpu.memory_space<vmem>>, vector<256x128xf32>
    %dot_general3A_297 = arith.constant dense<0.000000e+00> : vector<256x128xf32>
    %dot_general3A_298 = tpu.matmul %mul3A_293, %get3A_296, %dot_general3A_297 {dimension_numbers = #tpu.dot_dimension_numbers<[1], [0], [0], [1], [0, 0, 1, 1], [], []>, transpose_lhs_hint = false} : vector<256x256xf32>, vector<256x128xf32>, vector<256x128xf32> -> vector<256x128xf32>
    %mul3A_299 = arith.mulf %get3A_289, %get3A_289 : vector<256x256xf32>
    %reduce_sum3A_300 = vector.shape_cast %mul3A_299 : vector<256x256xf32> to vector<1x256x256xf32>
    %reduce_sum3A_301 = arith.constant dense<0.000000e+00> : vector<1xf32>
    %reduce_sum3A_302 = vector.multi_reduction <add>, %reduce_sum3A_300, %reduce_sum3A_301 [1, 2] : vector<1x256x256xf32> to vector<1xf32>
    %reduce_sum3A_303 = vector.shape_cast %reduce_sum3A_302 : vector<1xf32> to vector<1x1x1xf32>
    %reduce_sum3A_304 = vector.extract %reduce_sum3A_303[0, 0, 0] : f32 from vector<1x1x1xf32>
    %div3A_305 = arith.constant 6.553600e+04 : f32
    %div3A_306 = arith.divf %reduce_sum3A_304, %div3A_305 : f32
    %add3A_307 = arith.constant 9.99999997E-7 : f32
    %add3A_308 = arith.addf %div3A_306, %add3A_307 : f32
    %rsqrt3A_309 = math.rsqrt %add3A_308 : f32
    %slice3A_310 = vector.extract_strided_slice %dot_general3A_298 {offsets = [0, 0], sizes = [256, 64], strides = [1, 1]} : vector<256x128xf32> to vector<256x64xf32>
    %mul3A_311 = vector.broadcast %rsqrt3A_309 : f32 to vector<256x64xf32>
    %mul3A_312 = arith.mulf %slice3A_310, %mul3A_311 : vector<256x64xf32>
    %get3A_313 = arith.constant 0 : index
    %get3A_314 = arith.constant 0 : index
    %get3A_315 = vector.load %arg4[%get3A_313, %get3A_314] : memref<1x64xf32, #tpu.memory_space<vmem>>, vector<1x64xf32>
    %add3A_316 = vector.broadcast %get3A_315 : vector<1x64xf32> to vector<256x64xf32>
    %add3A_317 = arith.addf %mul3A_312, %add3A_316 : vector<256x64xf32>
    %slice3A_318 = vector.extract_strided_slice %dot_general3A_298 {offsets = [0, 64], sizes = [256, 64], strides = [1, 1]} : vector<256x128xf32> to vector<256x64xf32>
    %mul3A_319 = vector.broadcast %rsqrt3A_309 : f32 to vector<256x64xf32>
    %mul3A_320 = arith.mulf %slice3A_318, %mul3A_319 : vector<256x64xf32>
    %get3A_321 = arith.constant 0 : index
    %get3A_322 = arith.constant 0 : index
    %get3A_323 = vector.load %arg5[%get3A_321, %get3A_322] : memref<1x64xf32, #tpu.memory_space<vmem>>, vector<1x64xf32>
    %add3A_324 = vector.broadcast %get3A_323 : vector<1x64xf32> to vector<256x64xf32>
    %add3A_325 = arith.addf %mul3A_320, %add3A_324 : vector<256x64xf32>
    %dot_general3A_326 = arith.constant dense<0.000000e+00> : vector<256x256xf32>
    %dot_general3A_327 = tpu.matmul %add3A_317, %add3A_325, %dot_general3A_326 {dimension_numbers = #tpu.dot_dimension_numbers<[1], [1], [0], [0], [0, 0, 1, 0], [], []>, transpose_lhs_hint = false} : vector<256x64xf32>, vector<256x64xf32>, vector<256x256xf32> -> vector<256x256xf32>
    %swap3A_328 = arith.constant 6 : index
    %swap3A_329 = arith.constant 0 : index
    %swap3A_330 = arith.constant 0 : index
    %swap3A_331 = vector.load %arg6[%swap3A_328, %swap3A_329, %swap3A_330] : memref<16x256x256xf32, #tpu.memory_space<vmem>>, vector<1x256x256xf32>
    %swap3A_332 = vector.shape_cast %swap3A_331 : vector<1x256x256xf32> to vector<256x256xf32>
    %swap3A_333 = vector.shape_cast %dot_general3A_327 : vector<256x256xf32> to vector<1x256x256xf32>
    tpu.vector_store %arg6[%swap3A_328, %swap3A_329, %swap3A_330], %swap3A_333 {strides = array<i32>} : memref<16x256x256xf32, #tpu.memory_space<vmem>>, vector<1x256x256xf32>,
    %get3A_334 = arith.constant 7 : index
    %get3A_335 = arith.constant 0 : index
    %get3A_336 = arith.constant 0 : index
    %get3A_337 = vector.load %arg1[%get3A_334, %get3A_335, %get3A_336] : memref<16x256x256xf32, #tpu.memory_space<vmem>>, vector<1x256x256xf32>
    %get3A_338 = vector.shape_cast %get3A_337 : vector<1x256x256xf32> to vector<256x256xf32>
    %get3A_339 = arith.constant 0 : index
    %get3A_340 = arith.constant 0 : index
    %get3A_341 = vector.load %arg2[%get3A_339, %get3A_340] : memref<256x256xf32, #tpu.memory_space<vmem>>, vector<256x256xf32>
    %mul3A_342 = arith.mulf %get3A_338, %get3A_341 : vector<256x256xf32>
    %get3A_343 = arith.constant 0 : index
    %get3A_344 = arith.constant 0 : index
    %get3A_345 = vector.load %arg3[%get3A_343, %get3A_344] : memref<256x128xf32, #tpu.memory_space<vmem>>, vector<256x128xf32>
    %dot_general3A_346 = arith.constant dense<0.000000e+00> : vector<256x128xf32>
    %dot_general3A_347 = tpu.matmul %mul3A_342, %get3A_345, %dot_general3A_346 {dimension_numbers = #tpu.dot_dimension_numbers<[1], [0], [0], [1], [0, 0, 1, 1], [], []>, transpose_lhs_hint = false} : vector<256x256xf32>, vector<256x128xf32>, vector<256x128xf32> -> vector<256x128xf32>
    %mul3A_348 = arith.mulf %get3A_338, %get3A_338 : vector<256x256xf32>
    %reduce_sum3A_349 = vector.shape_cast %mul3A_348 : vector<256x256xf32> to vector<1x256x256xf32>
    %reduce_sum3A_350 = arith.constant dense<0.000000e+00> : vector<1xf32>
    %reduce_sum3A_351 = vector.multi_reduction <add>, %reduce_sum3A_349, %reduce_sum3A_350 [1, 2] : vector<1x256x256xf32> to vector<1xf32>
    %reduce_sum3A_352 = vector.shape_cast %reduce_sum3A_351 : vector<1xf32> to vector<1x1x1xf32>
    %reduce_sum3A_353 = vector.extract %reduce_sum3A_352[0, 0, 0] : f32 from vector<1x1x1xf32>
    %div3A_354 = arith.constant 6.553600e+04 : f32
    %div3A_355 = arith.divf %reduce_sum3A_353, %div3A_354 : f32
    %add3A_356 = arith.constant 9.99999997E-7 : f32
    %add3A_357 = arith.addf %div3A_355, %add3A_356 : f32
    %rsqrt3A_358 = math.rsqrt %add3A_357 : f32
    %slice3A_359 = vector.extract_strided_slice %dot_general3A_347 {offsets = [0, 0], sizes = [256, 64], strides = [1, 1]} : vector<256x128xf32> to vector<256x64xf32>
    %mul3A_360 = vector.broadcast %rsqrt3A_358 : f32 to vector<256x64xf32>
    %mul3A_361 = arith.mulf %slice3A_359, %mul3A_360 : vector<256x64xf32>
    %get3A_362 = arith.constant 0 : index
    %get3A_363 = arith.constant 0 : index
    %get3A_364 = vector.load %arg4[%get3A_362, %get3A_363] : memref<1x64xf32, #tpu.memory_space<vmem>>, vector<1x64xf32>
    %add3A_365 = vector.broadcast %get3A_364 : vector<1x64xf32> to vector<256x64xf32>
    %add3A_366 = arith.addf %mul3A_361, %add3A_365 : vector<256x64xf32>
    %slice3A_367 = vector.extract_strided_slice %dot_general3A_347 {offsets = [0, 64], sizes = [256, 64], strides = [1, 1]} : vector<256x128xf32> to vector<256x64xf32>
    %mul3A_368 = vector.broadcast %rsqrt3A_358 : f32 to vector<256x64xf32>
    %mul3A_369 = arith.mulf %slice3A_367, %mul3A_368 : vector<256x64xf32>
    %get3A_370 = arith.constant 0 : index
    %get3A_371 = arith.constant 0 : index
    %get3A_372 = vector.load %arg5[%get3A_370, %get3A_371] : memref<1x64xf32, #tpu.memory_space<vmem>>, vector<1x64xf32>
    %add3A_373 = vector.broadcast %get3A_372 : vector<1x64xf32> to vector<256x64xf32>
    %add3A_374 = arith.addf %mul3A_369, %add3A_373 : vector<256x64xf32>
    %dot_general3A_375 = arith.constant dense<0.000000e+00> : vector<256x256xf32>
    %dot_general3A_376 = tpu.matmul %add3A_366, %add3A_374, %dot_general3A_375 {dimension_numbers = #tpu.dot_dimension_numbers<[1], [1], [0], [0], [0, 0, 1, 0], [], []>, transpose_lhs_hint = false} : vector<256x64xf32>, vector<256x64xf32>, vector<256x256xf32> -> vector<256x256xf32>
    %swap3A_377 = arith.constant 7 : index
    %swap3A_378 = arith.constant 0 : index
    %swap3A_379 = arith.constant 0 : index
    %swap3A_380 = vector.load %arg6[%swap3A_377, %swap3A_378, %swap3A_379] : memref<16x256x256xf32, #tpu.memory_space<vmem>>, vector<1x256x256xf32>
    %swap3A_381 = vector.shape_cast %swap3A_380 : vector<1x256x256xf32> to vector<256x256xf32>
    %swap3A_382 = vector.shape_cast %dot_general3A_376 : vector<256x256xf32> to vector<1x256x256xf32>
    tpu.vector_store %arg6[%swap3A_377, %swap3A_378, %swap3A_379], %swap3A_382 {strides = array<i32>} : memref<16x256x256xf32, #tpu.memory_space<vmem>>, vector<1x256x256xf32>,
    %get3A_383 = arith.constant 8 : index
    %get3A_384 = arith.constant 0 : index
    %get3A_385 = arith.constant 0 : index
    %get3A_386 = vector.load %arg1[%get3A_383, %get3A_384, %get3A_385] : memref<16x256x256xf32, #tpu.memory_space<vmem>>, vector<1x256x256xf32>
    %get3A_387 = vector.shape_cast %get3A_386 : vector<1x256x256xf32> to vector<256x256xf32>
    %get3A_388 = arith.constant 0 : index
    %get3A_389 = arith.constant 0 : index
    %get3A_390 = vector.load %arg2[%get3A_388, %get3A_389] : memref<256x256xf32, #tpu.memory_space<vmem>>, vector<256x256xf32>
    %mul3A_391 = arith.mulf %get3A_387, %get3A_390 : vector<256x256xf32>
    %get3A_392 = arith.constant 0 : index
    %get3A_393 = arith.constant 0 : index
    %get3A_394 = vector.load %arg3[%get3A_392, %get3A_393] : memref<256x128xf32, #tpu.memory_space<vmem>>, vector<256x128xf32>
    %dot_general3A_395 = arith.constant dense<0.000000e+00> : vector<256x128xf32>
    %dot_general3A_396 = tpu.matmul %mul3A_391, %get3A_394, %dot_general3A_395 {dimension_numbers = #tpu.dot_dimension_numbers<[1], [0], [0], [1], [0, 0, 1, 1], [], []>, transpose_lhs_hint = false} : vector<256x256xf32>, vector<256x128xf32>, vector<256x128xf32> -> vector<256x128xf32>
    %mul3A_397 = arith.mulf %get3A_387, %get3A_387 : vector<256x256xf32>
    %reduce_sum3A_398 = vector.shape_cast %mul3A_397 : vector<256x256xf32> to vector<1x256x256xf32>
    %reduce_sum3A_399 = arith.constant dense<0.000000e+00> : vector<1xf32>
    %reduce_sum3A_400 = vector.multi_reduction <add>, %reduce_sum3A_398, %reduce_sum3A_399 [1, 2] : vector<1x256x256xf32> to vector<1xf32>
    %reduce_sum3A_401 = vector.shape_cast %reduce_sum3A_400 : vector<1xf32> to vector<1x1x1xf32>
    %reduce_sum3A_402 = vector.extract %reduce_sum3A_401[0, 0, 0] : f32 from vector<1x1x1xf32>
    %div3A_403 = arith.constant 6.553600e+04 : f32
    %div3A_404 = arith.divf %reduce_sum3A_402, %div3A_403 : f32
    %add3A_405 = arith.constant 9.99999997E-7 : f32
    %add3A_406 = arith.addf %div3A_404, %add3A_405 : f32
    %rsqrt3A_407 = math.rsqrt %add3A_406 : f32
    %slice3A_408 = vector.extract_strided_slice %dot_general3A_396 {offsets = [0, 0], sizes = [256, 64], strides = [1, 1]} : vector<256x128xf32> to vector<256x64xf32>
    %mul3A_409 = vector.broadcast %rsqrt3A_407 : f32 to vector<256x64xf32>
    %mul3A_410 = arith.mulf %slice3A_408, %mul3A_409 : vector<256x64xf32>
    %get3A_411 = arith.constant 0 : index
    %get3A_412 = arith.constant 0 : index
    %get3A_413 = vector.load %arg4[%get3A_411, %get3A_412] : memref<1x64xf32, #tpu.memory_space<vmem>>, vector<1x64xf32>
    %add3A_414 = vector.broadcast %get3A_413 : vector<1x64xf32> to vector<256x64xf32>
    %add3A_415 = arith.addf %mul3A_410, %add3A_414 : vector<256x64xf32>
    %slice3A_416 = vector.extract_strided_slice %dot_general3A_396 {offsets = [0, 64], sizes = [256, 64], strides = [1, 1]} : vector<256x128xf32> to vector<256x64xf32>
    %mul3A_417 = vector.broadcast %rsqrt3A_407 : f32 to vector<256x64xf32>
    %mul3A_418 = arith.mulf %slice3A_416, %mul3A_417 : vector<256x64xf32>
    %get3A_419 = arith.constant 0 : index
    %get3A_420 = arith.constant 0 : index
    %get3A_421 = vector.load %arg5[%get3A_419, %get3A_420] : memref<1x64xf32, #tpu.memory_space<vmem>>, vector<1x64xf32>
    %add3A_422 = vector.broadcast %get3A_421 : vector<1x64xf32> to vector<256x64xf32>
    %add3A_423 = arith.addf %mul3A_418, %add3A_422 : vector<256x64xf32>
    %dot_general3A_424 = arith.constant dense<0.000000e+00> : vector<256x256xf32>
    %dot_general3A_425 = tpu.matmul %add3A_415, %add3A_423, %dot_general3A_424 {dimension_numbers = #tpu.dot_dimension_numbers<[1], [1], [0], [0], [0, 0, 1, 0], [], []>, transpose_lhs_hint = false} : vector<256x64xf32>, vector<256x64xf32>, vector<256x256xf32> -> vector<256x256xf32>
    %swap3A_426 = arith.constant 8 : index
    %swap3A_427 = arith.constant 0 : index
    %swap3A_428 = arith.constant 0 : index
    %swap3A_429 = vector.load %arg6[%swap3A_426, %swap3A_427, %swap3A_428] : memref<16x256x256xf32, #tpu.memory_space<vmem>>, vector<1x256x256xf32>
    %swap3A_430 = vector.shape_cast %swap3A_429 : vector<1x256x256xf32> to vector<256x256xf32>
    %swap3A_431 = vector.shape_cast %dot_general3A_425 : vector<256x256xf32> to vector<1x256x256xf32>
    tpu.vector_store %arg6[%swap3A_426, %swap3A_427, %swap3A_428], %swap3A_431 {strides = array<i32>} : memref<16x256x256xf32, #tpu.memory_space<vmem>>, vector<1x256x256xf32>,
    %get3A_432 = arith.constant 9 : index
    %get3A_433 = arith.constant 0 : index
    %get3A_434 = arith.constant 0 : index
    %get3A_435 = vector.load %arg1[%get3A_432, %get3A_433, %get3A_434] : memref<16x256x256xf32, #tpu.memory_space<vmem>>, vector<1x256x256xf32>
    %get3A_436 = vector.shape_cast %get3A_435 : vector<1x256x256xf32> to vector<256x256xf32>
    %get3A_437 = arith.constant 0 : index
    %get3A_438 = arith.constant 0 : index
    %get3A_439 = vector.load %arg2[%get3A_437, %get3A_438] : memref<256x256xf32, #tpu.memory_space<vmem>>, vector<256x256xf32>
    %mul3A_440 = arith.mulf %get3A_436, %get3A_439 : vector<256x256xf32>
    %get3A_441 = arith.constant 0 : index
    %get3A_442 = arith.constant 0 : index
    %get3A_443 = vector.load %arg3[%get3A_441, %get3A_442] : memref<256x128xf32, #tpu.memory_space<vmem>>, vector<256x128xf32>
    %dot_general3A_444 = arith.constant dense<0.000000e+00> : vector<256x128xf32>
    %dot_general3A_445 = tpu.matmul %mul3A_440, %get3A_443, %dot_general3A_444 {dimension_numbers = #tpu.dot_dimension_numbers<[1], [0], [0], [1], [0, 0, 1, 1], [], []>, transpose_lhs_hint = false} : vector<256x256xf32>, vector<256x128xf32>, vector<256x128xf32> -> vector<256x128xf32>
    %mul3A_446 = arith.mulf %get3A_436, %get3A_436 : vector<256x256xf32>
    %reduce_sum3A_447 = vector.shape_cast %mul3A_446 : vector<256x256xf32> to vector<1x256x256xf32>
    %reduce_sum3A_448 = arith.constant dense<0.000000e+00> : vector<1xf32>
    %reduce_sum3A_449 = vector.multi_reduction <add>, %reduce_sum3A_447, %reduce_sum3A_448 [1, 2] : vector<1x256x256xf32> to vector<1xf32>
    %reduce_sum3A_450 = vector.shape_cast %reduce_sum3A_449 : vector<1xf32> to vector<1x1x1xf32>
    %reduce_sum3A_451 = vector.extract %reduce_sum3A_450[0, 0, 0] : f32 from vector<1x1x1xf32>
    %div3A_452 = arith.constant 6.553600e+04 : f32
    %div3A_453 = arith.divf %reduce_sum3A_451, %div3A_452 : f32
    %add3A_454 = arith.constant 9.99999997E-7 : f32
    %add3A_455 = arith.addf %div3A_453, %add3A_454 : f32
    %rsqrt3A_456 = math.rsqrt %add3A_455 : f32
    %slice3A_457 = vector.extract_strided_slice %dot_general3A_445 {offsets = [0, 0], sizes = [256, 64], strides = [1, 1]} : vector<256x128xf32> to vector<256x64xf32>
    %mul3A_458 = vector.broadcast %rsqrt3A_456 : f32 to vector<256x64xf32>
    %mul3A_459 = arith.mulf %slice3A_457, %mul3A_458 : vector<256x64xf32>
    %get3A_460 = arith.constant 0 : index
    %get3A_461 = arith.constant 0 : index
    %get3A_462 = vector.load %arg4[%get3A_460, %get3A_461] : memref<1x64xf32, #tpu.memory_space<vmem>>, vector<1x64xf32>
    %add3A_463 = vector.broadcast %get3A_462 : vector<1x64xf32> to vector<256x64xf32>
    %add3A_464 = arith.addf %mul3A_459, %add3A_463 : vector<256x64xf32>
    %slice3A_465 = vector.extract_strided_slice %dot_general3A_445 {offsets = [0, 64], sizes = [256, 64], strides = [1, 1]} : vector<256x128xf32> to vector<256x64xf32>
    %mul3A_466 = vector.broadcast %rsqrt3A_456 : f32 to vector<256x64xf32>
    %mul3A_467 = arith.mulf %slice3A_465, %mul3A_466 : vector<256x64xf32>
    %get3A_468 = arith.constant 0 : index
    %get3A_469 = arith.constant 0 : index
    %get3A_470 = vector.load %arg5[%get3A_468, %get3A_469] : memref<1x64xf32, #tpu.memory_space<vmem>>, vector<1x64xf32>
    %add3A_471 = vector.broadcast %get3A_470 : vector<1x64xf32> to vector<256x64xf32>
    %add3A_472 = arith.addf %mul3A_467, %add3A_471 : vector<256x64xf32>
    %dot_general3A_473 = arith.constant dense<0.000000e+00> : vector<256x256xf32>
    %dot_general3A_474 = tpu.matmul %add3A_464, %add3A_472, %dot_general3A_473 {dimension_numbers = #tpu.dot_dimension_numbers<[1], [1], [0], [0], [0, 0, 1, 0], [], []>, transpose_lhs_hint = false} : vector<256x64xf32>, vector<256x64xf32>, vector<256x256xf32> -> vector<256x256xf32>
    %swap3A_475 = arith.constant 9 : index
    %swap3A_476 = arith.constant 0 : index
    %swap3A_477 = arith.constant 0 : index
    %swap3A_478 = vector.load %arg6[%swap3A_475, %swap3A_476, %swap3A_477] : memref<16x256x256xf32, #tpu.memory_space<vmem>>, vector<1x256x256xf32>
    %swap3A_479 = vector.shape_cast %swap3A_478 : vector<1x256x256xf32> to vector<256x256xf32>
    %swap3A_480 = vector.shape_cast %dot_general3A_474 : vector<256x256xf32> to vector<1x256x256xf32>
    tpu.vector_store %arg6[%swap3A_475, %swap3A_476, %swap3A_477], %swap3A_480 {strides = array<i32>} : memref<16x256x256xf32, #tpu.memory_space<vmem>>, vector<1x256x256xf32>,
    %get3A_481 = arith.constant 10 : index
    %get3A_482 = arith.constant 0 : index
    %get3A_483 = arith.constant 0 : index
    %get3A_484 = vector.load %arg1[%get3A_481, %get3A_482, %get3A_483] : memref<16x256x256xf32, #tpu.memory_space<vmem>>, vector<1x256x256xf32>
    %get3A_485 = vector.shape_cast %get3A_484 : vector<1x256x256xf32> to vector<256x256xf32>
    %get3A_486 = arith.constant 0 : index
    %get3A_487 = arith.constant 0 : index
    %get3A_488 = vector.load %arg2[%get3A_486, %get3A_487] : memref<256x256xf32, #tpu.memory_space<vmem>>, vector<256x256xf32>
    %mul3A_489 = arith.mulf %get3A_485, %get3A_488 : vector<256x256xf32>
    %get3A_490 = arith.constant 0 : index
    %get3A_491 = arith.constant 0 : index
    %get3A_492 = vector.load %arg3[%get3A_490, %get3A_491] : memref<256x128xf32, #tpu.memory_space<vmem>>, vector<256x128xf32>
    %dot_general3A_493 = arith.constant dense<0.000000e+00> : vector<256x128xf32>
    %dot_general3A_494 = tpu.matmul %mul3A_489, %get3A_492, %dot_general3A_493 {dimension_numbers = #tpu.dot_dimension_numbers<[1], [0], [0], [1], [0, 0, 1, 1], [], []>, transpose_lhs_hint = false} : vector<256x256xf32>, vector<256x128xf32>, vector<256x128xf32> -> vector<256x128xf32>
    %mul3A_495 = arith.mulf %get3A_485, %get3A_485 : vector<256x256xf32>
    %reduce_sum3A_496 = vector.shape_cast %mul3A_495 : vector<256x256xf32> to vector<1x256x256xf32>
    %reduce_sum3A_497 = arith.constant dense<0.000000e+00> : vector<1xf32>
    %reduce_sum3A_498 = vector.multi_reduction <add>, %reduce_sum3A_496, %reduce_sum3A_497 [1, 2] : vector<1x256x256xf32> to vector<1xf32>
    %reduce_sum3A_499 = vector.shape_cast %reduce_sum3A_498 : vector<1xf32> to vector<1x1x1xf32>
    %reduce_sum3A_500 = vector.extract %reduce_sum3A_499[0, 0, 0] : f32 from vector<1x1x1xf32>
    %div3A_501 = arith.constant 6.553600e+04 : f32
    %div3A_502 = arith.divf %reduce_sum3A_500, %div3A_501 : f32
    %add3A_503 = arith.constant 9.99999997E-7 : f32
    %add3A_504 = arith.addf %div3A_502, %add3A_503 : f32
    %rsqrt3A_505 = math.rsqrt %add3A_504 : f32
    %slice3A_506 = vector.extract_strided_slice %dot_general3A_494 {offsets = [0, 0], sizes = [256, 64], strides = [1, 1]} : vector<256x128xf32> to vector<256x64xf32>
    %mul3A_507 = vector.broadcast %rsqrt3A_505 : f32 to vector<256x64xf32>
    %mul3A_508 = arith.mulf %slice3A_506, %mul3A_507 : vector<256x64xf32>
    %get3A_509 = arith.constant 0 : index
    %get3A_510 = arith.constant 0 : index
    %get3A_511 = vector.load %arg4[%get3A_509, %get3A_510] : memref<1x64xf32, #tpu.memory_space<vmem>>, vector<1x64xf32>
    %add3A_512 = vector.broadcast %get3A_511 : vector<1x64xf32> to vector<256x64xf32>
    %add3A_513 = arith.addf %mul3A_508, %add3A_512 : vector<256x64xf32>
    %slice3A_514 = vector.extract_strided_slice %dot_general3A_494 {offsets = [0, 64], sizes = [256, 64], strides = [1, 1]} : vector<256x128xf32> to vector<256x64xf32>
    %mul3A_515 = vector.broadcast %rsqrt3A_505 : f32 to vector<256x64xf32>
    %mul3A_516 = arith.mulf %slice3A_514, %mul3A_515 : vector<256x64xf32>
    %get3A_517 = arith.constant 0 : index
    %get3A_518 = arith.constant 0 : index
    %get3A_519 = vector.load %arg5[%get3A_517, %get3A_518] : memref<1x64xf32, #tpu.memory_space<vmem>>, vector<1x64xf32>
    %add3A_520 = vector.broadcast %get3A_519 : vector<1x64xf32> to vector<256x64xf32>
    %add3A_521 = arith.addf %mul3A_516, %add3A_520 : vector<256x64xf32>
    %dot_general3A_522 = arith.constant dense<0.000000e+00> : vector<256x256xf32>
    %dot_general3A_523 = tpu.matmul %add3A_513, %add3A_521, %dot_general3A_522 {dimension_numbers = #tpu.dot_dimension_numbers<[1], [1], [0], [0], [0, 0, 1, 0], [], []>, transpose_lhs_hint = false} : vector<256x64xf32>, vector<256x64xf32>, vector<256x256xf32> -> vector<256x256xf32>
    %swap3A_524 = arith.constant 10 : index
    %swap3A_525 = arith.constant 0 : index
    %swap3A_526 = arith.constant 0 : index
    %swap3A_527 = vector.load %arg6[%swap3A_524, %swap3A_525, %swap3A_526] : memref<16x256x256xf32, #tpu.memory_space<vmem>>, vector<1x256x256xf32>
    %swap3A_528 = vector.shape_cast %swap3A_527 : vector<1x256x256xf32> to vector<256x256xf32>
    %swap3A_529 = vector.shape_cast %dot_general3A_523 : vector<256x256xf32> to vector<1x256x256xf32>
    tpu.vector_store %arg6[%swap3A_524, %swap3A_525, %swap3A_526], %swap3A_529 {strides = array<i32>} : memref<16x256x256xf32, #tpu.memory_space<vmem>>, vector<1x256x256xf32>,
    %get3A_530 = arith.constant 11 : index
    %get3A_531 = arith.constant 0 : index
    %get3A_532 = arith.constant 0 : index
    %get3A_533 = vector.load %arg1[%get3A_530, %get3A_531, %get3A_532] : memref<16x256x256xf32, #tpu.memory_space<vmem>>, vector<1x256x256xf32>
    %get3A_534 = vector.shape_cast %get3A_533 : vector<1x256x256xf32> to vector<256x256xf32>
    %get3A_535 = arith.constant 0 : index
    %get3A_536 = arith.constant 0 : index
    %get3A_537 = vector.load %arg2[%get3A_535, %get3A_536] : memref<256x256xf32, #tpu.memory_space<vmem>>, vector<256x256xf32>
    %mul3A_538 = arith.mulf %get3A_534, %get3A_537 : vector<256x256xf32>
    %get3A_539 = arith.constant 0 : index
    %get3A_540 = arith.constant 0 : index
    %get3A_541 = vector.load %arg3[%get3A_539, %get3A_540] : memref<256x128xf32, #tpu.memory_space<vmem>>, vector<256x128xf32>
    %dot_general3A_542 = arith.constant dense<0.000000e+00> : vector<256x128xf32>
    %dot_general3A_543 = tpu.matmul %mul3A_538, %get3A_541, %dot_general3A_542 {dimension_numbers = #tpu.dot_dimension_numbers<[1], [0], [0], [1], [0, 0, 1, 1], [], []>, transpose_lhs_hint = false} : vector<256x256xf32>, vector<256x128xf32>, vector<256x128xf32> -> vector<256x128xf32>
    %mul3A_544 = arith.mulf %get3A_534, %get3A_534 : vector<256x256xf32>
    %reduce_sum3A_545 = vector.shape_cast %mul3A_544 : vector<256x256xf32> to vector<1x256x256xf32>
    %reduce_sum3A_546 = arith.constant dense<0.000000e+00> : vector<1xf32>
    %reduce_sum3A_547 = vector.multi_reduction <add>, %reduce_sum3A_545, %reduce_sum3A_546 [1, 2] : vector<1x256x256xf32> to vector<1xf32>
    %reduce_sum3A_548 = vector.shape_cast %reduce_sum3A_547 : vector<1xf32> to vector<1x1x1xf32>
    %reduce_sum3A_549 = vector.extract %reduce_sum3A_548[0, 0, 0] : f32 from vector<1x1x1xf32>
    %div3A_550 = arith.constant 6.553600e+04 : f32
    %div3A_551 = arith.divf %reduce_sum3A_549, %div3A_550 : f32
    %add3A_552 = arith.constant 9.99999997E-7 : f32
    %add3A_553 = arith.addf %div3A_551, %add3A_552 : f32
    %rsqrt3A_554 = math.rsqrt %add3A_553 : f32
    %slice3A_555 = vector.extract_strided_slice %dot_general3A_543 {offsets = [0, 0], sizes = [256, 64], strides = [1, 1]} : vector<256x128xf32> to vector<256x64xf32>
    %mul3A_556 = vector.broadcast %rsqrt3A_554 : f32 to vector<256x64xf32>
    %mul3A_557 = arith.mulf %slice3A_555, %mul3A_556 : vector<256x64xf32>
    %get3A_558 = arith.constant 0 : index
    %get3A_559 = arith.constant 0 : index
    %get3A_560 = vector.load %arg4[%get3A_558, %get3A_559] : memref<1x64xf32, #tpu.memory_space<vmem>>, vector<1x64xf32>
    %add3A_561 = vector.broadcast %get3A_560 : vector<1x64xf32> to vector<256x64xf32>
    %add3A_562 = arith.addf %mul3A_557, %add3A_561 : vector<256x64xf32>
    %slice3A_563 = vector.extract_strided_slice %dot_general3A_543 {offsets = [0, 64], sizes = [256, 64], strides = [1, 1]} : vector<256x128xf32> to vector<256x64xf32>
    %mul3A_564 = vector.broadcast %rsqrt3A_554 : f32 to vector<256x64xf32>
    %mul3A_565 = arith.mulf %slice3A_563, %mul3A_564 : vector<256x64xf32>
    %get3A_566 = arith.constant 0 : index
    %get3A_567 = arith.constant 0 : index
    %get3A_568 = vector.load %arg5[%get3A_566, %get3A_567] : memref<1x64xf32, #tpu.memory_space<vmem>>, vector<1x64xf32>
    %add3A_569 = vector.broadcast %get3A_568 : vector<1x64xf32> to vector<256x64xf32>
    %add3A_570 = arith.addf %mul3A_565, %add3A_569 : vector<256x64xf32>
    %dot_general3A_571 = arith.constant dense<0.000000e+00> : vector<256x256xf32>
    %dot_general3A_572 = tpu.matmul %add3A_562, %add3A_570, %dot_general3A_571 {dimension_numbers = #tpu.dot_dimension_numbers<[1], [1], [0], [0], [0, 0, 1, 0], [], []>, transpose_lhs_hint = false} : vector<256x64xf32>, vector<256x64xf32>, vector<256x256xf32> -> vector<256x256xf32>
    %swap3A_573 = arith.constant 11 : index
    %swap3A_574 = arith.constant 0 : index
    %swap3A_575 = arith.constant 0 : index
    %swap3A_576 = vector.load %arg6[%swap3A_573, %swap3A_574, %swap3A_575] : memref<16x256x256xf32, #tpu.memory_space<vmem>>, vector<1x256x256xf32>
    %swap3A_577 = vector.shape_cast %swap3A_576 : vector<1x256x256xf32> to vector<256x256xf32>
    %swap3A_578 = vector.shape_cast %dot_general3A_572 : vector<256x256xf32> to vector<1x256x256xf32>
    tpu.vector_store %arg6[%swap3A_573, %swap3A_574, %swap3A_575], %swap3A_578 {strides = array<i32>} : memref<16x256x256xf32, #tpu.memory_space<vmem>>, vector<1x256x256xf32>,
    %get3A_579 = arith.constant 12 : index
    %get3A_580 = arith.constant 0 : index
    %get3A_581 = arith.constant 0 : index
    %get3A_582 = vector.load %arg1[%get3A_579, %get3A_580, %get3A_581] : memref<16x256x256xf32, #tpu.memory_space<vmem>>, vector<1x256x256xf32>
    %get3A_583 = vector.shape_cast %get3A_582 : vector<1x256x256xf32> to vector<256x256xf32>
    %get3A_584 = arith.constant 0 : index
    %get3A_585 = arith.constant 0 : index
    %get3A_586 = vector.load %arg2[%get3A_584, %get3A_585] : memref<256x256xf32, #tpu.memory_space<vmem>>, vector<256x256xf32>
    %mul3A_587 = arith.mulf %get3A_583, %get3A_586 : vector<256x256xf32>
    %get3A_588 = arith.constant 0 : index
    %get3A_589 = arith.constant 0 : index
    %get3A_590 = vector.load %arg3[%get3A_588, %get3A_589] : memref<256x128xf32, #tpu.memory_space<vmem>>, vector<256x128xf32>
    %dot_general3A_591 = arith.constant dense<0.000000e+00> : vector<256x128xf32>
    %dot_general3A_592 = tpu.matmul %mul3A_587, %get3A_590, %dot_general3A_591 {dimension_numbers = #tpu.dot_dimension_numbers<[1], [0], [0], [1], [0, 0, 1, 1], [], []>, transpose_lhs_hint = false} : vector<256x256xf32>, vector<256x128xf32>, vector<256x128xf32> -> vector<256x128xf32>
    %mul3A_593 = arith.mulf %get3A_583, %get3A_583 : vector<256x256xf32>
    %reduce_sum3A_594 = vector.shape_cast %mul3A_593 : vector<256x256xf32> to vector<1x256x256xf32>
    %reduce_sum3A_595 = arith.constant dense<0.000000e+00> : vector<1xf32>
    %reduce_sum3A_596 = vector.multi_reduction <add>, %reduce_sum3A_594, %reduce_sum3A_595 [1, 2] : vector<1x256x256xf32> to vector<1xf32>
    %reduce_sum3A_597 = vector.shape_cast %reduce_sum3A_596 : vector<1xf32> to vector<1x1x1xf32>
    %reduce_sum3A_598 = vector.extract %reduce_sum3A_597[0, 0, 0] : f32 from vector<1x1x1xf32>
    %div3A_599 = arith.constant 6.553600e+04 : f32
    %div3A_600 = arith.divf %reduce_sum3A_598, %div3A_599 : f32
    %add3A_601 = arith.constant 9.99999997E-7 : f32
    %add3A_602 = arith.addf %div3A_600, %add3A_601 : f32
    %rsqrt3A_603 = math.rsqrt %add3A_602 : f32
    %slice3A_604 = vector.extract_strided_slice %dot_general3A_592 {offsets = [0, 0], sizes = [256, 64], strides = [1, 1]} : vector<256x128xf32> to vector<256x64xf32>
    %mul3A_605 = vector.broadcast %rsqrt3A_603 : f32 to vector<256x64xf32>
    %mul3A_606 = arith.mulf %slice3A_604, %mul3A_605 : vector<256x64xf32>
    %get3A_607 = arith.constant 0 : index
    %get3A_608 = arith.constant 0 : index
    %get3A_609 = vector.load %arg4[%get3A_607, %get3A_608] : memref<1x64xf32, #tpu.memory_space<vmem>>, vector<1x64xf32>
    %add3A_610 = vector.broadcast %get3A_609 : vector<1x64xf32> to vector<256x64xf32>
    %add3A_611 = arith.addf %mul3A_606, %add3A_610 : vector<256x64xf32>
    %slice3A_612 = vector.extract_strided_slice %dot_general3A_592 {offsets = [0, 64], sizes = [256, 64], strides = [1, 1]} : vector<256x128xf32> to vector<256x64xf32>
    %mul3A_613 = vector.broadcast %rsqrt3A_603 : f32 to vector<256x64xf32>
    %mul3A_614 = arith.mulf %slice3A_612, %mul3A_613 : vector<256x64xf32>
    %get3A_615 = arith.constant 0 : index
    %get3A_616 = arith.constant 0 : index
    %get3A_617 = vector.load %arg5[%get3A_615, %get3A_616] : memref<1x64xf32, #tpu.memory_space<vmem>>, vector<1x64xf32>
    %add3A_618 = vector.broadcast %get3A_617 : vector<1x64xf32> to vector<256x64xf32>
    %add3A_619 = arith.addf %mul3A_614, %add3A_618 : vector<256x64xf32>
    %dot_general3A_620 = arith.constant dense<0.000000e+00> : vector<256x256xf32>
    %dot_general3A_621 = tpu.matmul %add3A_611, %add3A_619, %dot_general3A_620 {dimension_numbers = #tpu.dot_dimension_numbers<[1], [1], [0], [0], [0, 0, 1, 0], [], []>, transpose_lhs_hint = false} : vector<256x64xf32>, vector<256x64xf32>, vector<256x256xf32> -> vector<256x256xf32>
    %swap3A_622 = arith.constant 12 : index
    %swap3A_623 = arith.constant 0 : index
    %swap3A_624 = arith.constant 0 : index
    %swap3A_625 = vector.load %arg6[%swap3A_622, %swap3A_623, %swap3A_624] : memref<16x256x256xf32, #tpu.memory_space<vmem>>, vector<1x256x256xf32>
    %swap3A_626 = vector.shape_cast %swap3A_625 : vector<1x256x256xf32> to vector<256x256xf32>
    %swap3A_627 = vector.shape_cast %dot_general3A_621 : vector<256x256xf32> to vector<1x256x256xf32>
    tpu.vector_store %arg6[%swap3A_622, %swap3A_623, %swap3A_624], %swap3A_627 {strides = array<i32>} : memref<16x256x256xf32, #tpu.memory_space<vmem>>, vector<1x256x256xf32>,
    %get3A_628 = arith.constant 13 : index
    %get3A_629 = arith.constant 0 : index
    %get3A_630 = arith.constant 0 : index
    %get3A_631 = vector.load %arg1[%get3A_628, %get3A_629, %get3A_630] : memref<16x256x256xf32, #tpu.memory_space<vmem>>, vector<1x256x256xf32>
    %get3A_632 = vector.shape_cast %get3A_631 : vector<1x256x256xf32> to vector<256x256xf32>
    %get3A_633 = arith.constant 0 : index
    %get3A_634 = arith.constant 0 : index
    %get3A_635 = vector.load %arg2[%get3A_633, %get3A_634] : memref<256x256xf32, #tpu.memory_space<vmem>>, vector<256x256xf32>
    %mul3A_636 = arith.mulf %get3A_632, %get3A_635 : vector<256x256xf32>
    %get3A_637 = arith.constant 0 : index
    %get3A_638 = arith.constant 0 : index
    %get3A_639 = vector.load %arg3[%get3A_637, %get3A_638] : memref<256x128xf32, #tpu.memory_space<vmem>>, vector<256x128xf32>
    %dot_general3A_640 = arith.constant dense<0.000000e+00> : vector<256x128xf32>
    %dot_general3A_641 = tpu.matmul %mul3A_636, %get3A_639, %dot_general3A_640 {dimension_numbers = #tpu.dot_dimension_numbers<[1], [0], [0], [1], [0, 0, 1, 1], [], []>, transpose_lhs_hint = false} : vector<256x256xf32>, vector<256x128xf32>, vector<256x128xf32> -> vector<256x128xf32>
    %mul3A_642 = arith.mulf %get3A_632, %get3A_632 : vector<256x256xf32>
    %reduce_sum3A_643 = vector.shape_cast %mul3A_642 : vector<256x256xf32> to vector<1x256x256xf32>
    %reduce_sum3A_644 = arith.constant dense<0.000000e+00> : vector<1xf32>
    %reduce_sum3A_645 = vector.multi_reduction <add>, %reduce_sum3A_643, %reduce_sum3A_644 [1, 2] : vector<1x256x256xf32> to vector<1xf32>
    %reduce_sum3A_646 = vector.shape_cast %reduce_sum3A_645 : vector<1xf32> to vector<1x1x1xf32>
    %reduce_sum3A_647 = vector.extract %reduce_sum3A_646[0, 0, 0] : f32 from vector<1x1x1xf32>
    %div3A_648 = arith.constant 6.553600e+04 : f32
    %div3A_649 = arith.divf %reduce_sum3A_647, %div3A_648 : f32
    %add3A_650 = arith.constant 9.99999997E-7 : f32
    %add3A_651 = arith.addf %div3A_649, %add3A_650 : f32
    %rsqrt3A_652 = math.rsqrt %add3A_651 : f32
    %slice3A_653 = vector.extract_strided_slice %dot_general3A_641 {offsets = [0, 0], sizes = [256, 64], strides = [1, 1]} : vector<256x128xf32> to vector<256x64xf32>
    %mul3A_654 = vector.broadcast %rsqrt3A_652 : f32 to vector<256x64xf32>
    %mul3A_655 = arith.mulf %slice3A_653, %mul3A_654 : vector<256x64xf32>
    %get3A_656 = arith.constant 0 : index
    %get3A_657 = arith.constant 0 : index
    %get3A_658 = vector.load %arg4[%get3A_656, %get3A_657] : memref<1x64xf32, #tpu.memory_space<vmem>>, vector<1x64xf32>
    %add3A_659 = vector.broadcast %get3A_658 : vector<1x64xf32> to vector<256x64xf32>
    %add3A_660 = arith.addf %mul3A_655, %add3A_659 : vector<256x64xf32>
    %slice3A_661 = vector.extract_strided_slice %dot_general3A_641 {offsets = [0, 64], sizes = [256, 64], strides = [1, 1]} : vector<256x128xf32> to vector<256x64xf32>
    %mul3A_662 = vector.broadcast %rsqrt3A_652 : f32 to vector<256x64xf32>
    %mul3A_663 = arith.mulf %slice3A_661, %mul3A_662 : vector<256x64xf32>
    %get3A_664 = arith.constant 0 : index
    %get3A_665 = arith.constant 0 : index
    %get3A_666 = vector.load %arg5[%get3A_664, %get3A_665] : memref<1x64xf32, #tpu.memory_space<vmem>>, vector<1x64xf32>
    %add3A_667 = vector.broadcast %get3A_666 : vector<1x64xf32> to vector<256x64xf32>
    %add3A_668 = arith.addf %mul3A_663, %add3A_667 : vector<256x64xf32>
    %dot_general3A_669 = arith.constant dense<0.000000e+00> : vector<256x256xf32>
    %dot_general3A_670 = tpu.matmul %add3A_660, %add3A_668, %dot_general3A_669 {dimension_numbers = #tpu.dot_dimension_numbers<[1], [1], [0], [0], [0, 0, 1, 0], [], []>, transpose_lhs_hint = false} : vector<256x64xf32>, vector<256x64xf32>, vector<256x256xf32> -> vector<256x256xf32>
    %swap3A_671 = arith.constant 13 : index
    %swap3A_672 = arith.constant 0 : index
    %swap3A_673 = arith.constant 0 : index
    %swap3A_674 = vector.load %arg6[%swap3A_671, %swap3A_672, %swap3A_673] : memref<16x256x256xf32, #tpu.memory_space<vmem>>, vector<1x256x256xf32>
    %swap3A_675 = vector.shape_cast %swap3A_674 : vector<1x256x256xf32> to vector<256x256xf32>
    %swap3A_676 = vector.shape_cast %dot_general3A_670 : vector<256x256xf32> to vector<1x256x256xf32>
    tpu.vector_store %arg6[%swap3A_671, %swap3A_672, %swap3A_673], %swap3A_676 {strides = array<i32>} : memref<16x256x256xf32, #tpu.memory_space<vmem>>, vector<1x256x256xf32>,
    %get3A_677 = arith.constant 14 : index
    %get3A_678 = arith.constant 0 : index
    %get3A_679 = arith.constant 0 : index
    %get3A_680 = vector.load %arg1[%get3A_677, %get3A_678, %get3A_679] : memref<16x256x256xf32, #tpu.memory_space<vmem>>, vector<1x256x256xf32>
    %get3A_681 = vector.shape_cast %get3A_680 : vector<1x256x256xf32> to vector<256x256xf32>
    %get3A_682 = arith.constant 0 : index
    %get3A_683 = arith.constant 0 : index
    %get3A_684 = vector.load %arg2[%get3A_682, %get3A_683] : memref<256x256xf32, #tpu.memory_space<vmem>>, vector<256x256xf32>
    %mul3A_685 = arith.mulf %get3A_681, %get3A_684 : vector<256x256xf32>
    %get3A_686 = arith.constant 0 : index
    %get3A_687 = arith.constant 0 : index
    %get3A_688 = vector.load %arg3[%get3A_686, %get3A_687] : memref<256x128xf32, #tpu.memory_space<vmem>>, vector<256x128xf32>
    %dot_general3A_689 = arith.constant dense<0.000000e+00> : vector<256x128xf32>
    %dot_general3A_690 = tpu.matmul %mul3A_685, %get3A_688, %dot_general3A_689 {dimension_numbers = #tpu.dot_dimension_numbers<[1], [0], [0], [1], [0, 0, 1, 1], [], []>, transpose_lhs_hint = false} : vector<256x256xf32>, vector<256x128xf32>, vector<256x128xf32> -> vector<256x128xf32>
    %mul3A_691 = arith.mulf %get3A_681, %get3A_681 : vector<256x256xf32>
    %reduce_sum3A_692 = vector.shape_cast %mul3A_691 : vector<256x256xf32> to vector<1x256x256xf32>
    %reduce_sum3A_693 = arith.constant dense<0.000000e+00> : vector<1xf32>
    %reduce_sum3A_694 = vector.multi_reduction <add>, %reduce_sum3A_692, %reduce_sum3A_693 [1, 2] : vector<1x256x256xf32> to vector<1xf32>
    %reduce_sum3A_695 = vector.shape_cast %reduce_sum3A_694 : vector<1xf32> to vector<1x1x1xf32>
    %reduce_sum3A_696 = vector.extract %reduce_sum3A_695[0, 0, 0] : f32 from vector<1x1x1xf32>
    %div3A_697 = arith.constant 6.553600e+04 : f32
    %div3A_698 = arith.divf %reduce_sum3A_696, %div3A_697 : f32
    %add3A_699 = arith.constant 9.99999997E-7 : f32
    %add3A_700 = arith.addf %div3A_698, %add3A_699 : f32
    %rsqrt3A_701 = math.rsqrt %add3A_700 : f32
    %slice3A_702 = vector.extract_strided_slice %dot_general3A_690 {offsets = [0, 0], sizes = [256, 64], strides = [1, 1]} : vector<256x128xf32> to vector<256x64xf32>
    %mul3A_703 = vector.broadcast %rsqrt3A_701 : f32 to vector<256x64xf32>
    %mul3A_704 = arith.mulf %slice3A_702, %mul3A_703 : vector<256x64xf32>
    %get3A_705 = arith.constant 0 : index
    %get3A_706 = arith.constant 0 : index
    %get3A_707 = vector.load %arg4[%get3A_705, %get3A_706] : memref<1x64xf32, #tpu.memory_space<vmem>>, vector<1x64xf32>
    %add3A_708 = vector.broadcast %get3A_707 : vector<1x64xf32> to vector<256x64xf32>
    %add3A_709 = arith.addf %mul3A_704, %add3A_708 : vector<256x64xf32>
    %slice3A_710 = vector.extract_strided_slice %dot_general3A_690 {offsets = [0, 64], sizes = [256, 64], strides = [1, 1]} : vector<256x128xf32> to vector<256x64xf32>
    %mul3A_711 = vector.broadcast %rsqrt3A_701 : f32 to vector<256x64xf32>
    %mul3A_712 = arith.mulf %slice3A_710, %mul3A_711 : vector<256x64xf32>
    %get3A_713 = arith.constant 0 : index
    %get3A_714 = arith.constant 0 : index
    %get3A_715 = vector.load %arg5[%get3A_713, %get3A_714] : memref<1x64xf32, #tpu.memory_space<vmem>>, vector<1x64xf32>
    %add3A_716 = vector.broadcast %get3A_715 : vector<1x64xf32> to vector<256x64xf32>
    %add3A_717 = arith.addf %mul3A_712, %add3A_716 : vector<256x64xf32>
    %dot_general3A_718 = arith.constant dense<0.000000e+00> : vector<256x256xf32>
    %dot_general3A_719 = tpu.matmul %add3A_709, %add3A_717, %dot_general3A_718 {dimension_numbers = #tpu.dot_dimension_numbers<[1], [1], [0], [0], [0, 0, 1, 0], [], []>, transpose_lhs_hint = false} : vector<256x64xf32>, vector<256x64xf32>, vector<256x256xf32> -> vector<256x256xf32>
    %swap3A_720 = arith.constant 14 : index
    %swap3A_721 = arith.constant 0 : index
    %swap3A_722 = arith.constant 0 : index
    %swap3A_723 = vector.load %arg6[%swap3A_720, %swap3A_721, %swap3A_722] : memref<16x256x256xf32, #tpu.memory_space<vmem>>, vector<1x256x256xf32>
    %swap3A_724 = vector.shape_cast %swap3A_723 : vector<1x256x256xf32> to vector<256x256xf32>
    %swap3A_725 = vector.shape_cast %dot_general3A_719 : vector<256x256xf32> to vector<1x256x256xf32>
    tpu.vector_store %arg6[%swap3A_720, %swap3A_721, %swap3A_722], %swap3A_725 {strides = array<i32>} : memref<16x256x256xf32, #tpu.memory_space<vmem>>, vector<1x256x256xf32>,
    %get3A_726 = arith.constant 15 : index
    %get3A_727 = arith.constant 0 : index
    %get3A_728 = arith.constant 0 : index
    %get3A_729 = vector.load %arg1[%get3A_726, %get3A_727, %get3A_728] : memref<16x256x256xf32, #tpu.memory_space<vmem>>, vector<1x256x256xf32>
    %get3A_730 = vector.shape_cast %get3A_729 : vector<1x256x256xf32> to vector<256x256xf32>
    %get3A_731 = arith.constant 0 : index
    %get3A_732 = arith.constant 0 : index
    %get3A_733 = vector.load %arg2[%get3A_731, %get3A_732] : memref<256x256xf32, #tpu.memory_space<vmem>>, vector<256x256xf32>
    %mul3A_734 = arith.mulf %get3A_730, %get3A_733 : vector<256x256xf32>
    %get3A_735 = arith.constant 0 : index
    %get3A_736 = arith.constant 0 : index
    %get3A_737 = vector.load %arg3[%get3A_735, %get3A_736] : memref<256x128xf32, #tpu.memory_space<vmem>>, vector<256x128xf32>
    %dot_general3A_738 = arith.constant dense<0.000000e+00> : vector<256x128xf32>
    %dot_general3A_739 = tpu.matmul %mul3A_734, %get3A_737, %dot_general3A_738 {dimension_numbers = #tpu.dot_dimension_numbers<[1], [0], [0], [1], [0, 0, 1, 1], [], []>, transpose_lhs_hint = false} : vector<256x256xf32>, vector<256x128xf32>, vector<256x128xf32> -> vector<256x128xf32>
    %mul3A_740 = arith.mulf %get3A_730, %get3A_730 : vector<256x256xf32>
    %reduce_sum3A_741 = vector.shape_cast %mul3A_740 : vector<256x256xf32> to vector<1x256x256xf32>
    %reduce_sum3A_742 = arith.constant dense<0.000000e+00> : vector<1xf32>
    %reduce_sum3A_743 = vector.multi_reduction <add>, %reduce_sum3A_741, %reduce_sum3A_742 [1, 2] : vector<1x256x256xf32> to vector<1xf32>
    %reduce_sum3A_744 = vector.shape_cast %reduce_sum3A_743 : vector<1xf32> to vector<1x1x1xf32>
    %reduce_sum3A_745 = vector.extract %reduce_sum3A_744[0, 0, 0] : f32 from vector<1x1x1xf32>
    %div3A_746 = arith.constant 6.553600e+04 : f32
    %div3A_747 = arith.divf %reduce_sum3A_745, %div3A_746 : f32
    %add3A_748 = arith.constant 9.99999997E-7 : f32
    %add3A_749 = arith.addf %div3A_747, %add3A_748 : f32
    %rsqrt3A_750 = math.rsqrt %add3A_749 : f32
    %slice3A_751 = vector.extract_strided_slice %dot_general3A_739 {offsets = [0, 0], sizes = [256, 64], strides = [1, 1]} : vector<256x128xf32> to vector<256x64xf32>
    %mul3A_752 = vector.broadcast %rsqrt3A_750 : f32 to vector<256x64xf32>
    %mul3A_753 = arith.mulf %slice3A_751, %mul3A_752 : vector<256x64xf32>
    %get3A_754 = arith.constant 0 : index
    %get3A_755 = arith.constant 0 : index
    %get3A_756 = vector.load %arg4[%get3A_754, %get3A_755] : memref<1x64xf32, #tpu.memory_space<vmem>>, vector<1x64xf32>
    %add3A_757 = vector.broadcast %get3A_756 : vector<1x64xf32> to vector<256x64xf32>
    %add3A_758 = arith.addf %mul3A_753, %add3A_757 : vector<256x64xf32>
    %slice3A_759 = vector.extract_strided_slice %dot_general3A_739 {offsets = [0, 64], sizes = [256, 64], strides = [1, 1]} : vector<256x128xf32> to vector<256x64xf32>
    %mul3A_760 = vector.broadcast %rsqrt3A_750 : f32 to vector<256x64xf32>
    %mul3A_761 = arith.mulf %slice3A_759, %mul3A_760 : vector<256x64xf32>
    %get3A_762 = arith.constant 0 : index
    %get3A_763 = arith.constant 0 : index
    %get3A_764 = vector.load %arg5[%get3A_762, %get3A_763] : memref<1x64xf32, #tpu.memory_space<vmem>>, vector<1x64xf32>
    %add3A_765 = vector.broadcast %get3A_764 : vector<1x64xf32> to vector<256x64xf32>
    %add3A_766 = arith.addf %mul3A_761, %add3A_765 : vector<256x64xf32>
    %dot_general3A_767 = arith.constant dense<0.000000e+00> : vector<256x256xf32>
    %dot_general3A_768 = tpu.matmul %add3A_758, %add3A_766, %dot_general3A_767 {dimension_numbers = #tpu.dot_dimension_numbers<[1], [1], [0], [0], [0, 0, 1, 0], [], []>, transpose_lhs_hint = false} : vector<256x64xf32>, vector<256x64xf32>, vector<256x256xf32> -> vector<256x256xf32>
    %swap3A_769 = arith.constant 15 : index
    %swap3A_770 = arith.constant 0 : index
    %swap3A_771 = arith.constant 0 : index
    %swap3A_772 = vector.load %arg6[%swap3A_769, %swap3A_770, %swap3A_771] : memref<16x256x256xf32, #tpu.memory_space<vmem>>, vector<1x256x256xf32>
    %swap3A_773 = vector.shape_cast %swap3A_772 : vector<1x256x256xf32> to vector<256x256xf32>
    %swap3A_774 = vector.shape_cast %dot_general3A_768 : vector<256x256xf32> to vector<1x256x256xf32>
    tpu.vector_store %arg6[%swap3A_769, %swap3A_770, %swap3A_771], %swap3A_774 {strides = array<i32>} : memref<16x256x256xf32, #tpu.memory_space<vmem>>, vector<1x256x256xf32>,
    return
  }
  func.func @transform_0(%arg0: i32) -> (i32, i32, i32) {
    %add3A = arith.constant 0 : i32
    %add3A_0 = arith.addi %add3A, %arg0 : i32
    %c0_i32 = arith.constant 0 : i32
    %c0_i32_1 = arith.constant 0 : i32
    %c0_i32_2 = arith.constant 0 : i32
    return %add3A_0, %c0_i32, %c0_i32_1 : i32, i32, i32
  }
  func.func @transform_1(%arg0: i32) -> (i32, i32) {
    %c0_i32 = arith.constant 0 : i32
    %c0_i32_0 = arith.constant 0 : i32
    %c0_i32_1 = arith.constant 0 : i32
    return %c0_i32, %c0_i32_0 : i32, i32
  }
  func.func @transform_2(%arg0: i32) -> (i32, i32) {
    %c0_i32 = arith.constant 0 : i32
    %c0_i32_0 = arith.constant 0 : i32
    %c0_i32_1 = arith.constant 0 : i32
    return %c0_i32, %c0_i32_0 : i32, i32
  }
  func.func @transform_3(%arg0: i32) -> (i32, i32) {
    %c0_i32 = arith.constant 0 : i32
    %c0_i32_0 = arith.constant 0 : i32
    %c0_i32_1 = arith.constant 0 : i32
    return %c0_i32, %c0_i32_0 : i32, i32
  }
  func.func @transform_4(%arg0: i32) -> (i32, i32) {
    %c0_i32 = arith.constant 0 : i32
    %c0_i32_0 = arith.constant 0 : i32
    %c0_i32_1 = arith.constant 0 : i32
    return %c0_i32, %c0_i32_0 : i32, i32
  }
  func.func @transform_5(%arg0: i32) -> (i32, i32, i32) {
    %c0_i32 = arith.constant 0 : i32
    %c0_i32_0 = arith.constant 0 : i32
    %c0_i32_1 = arith.constant 0 : i32
    return %arg0, %c0_i32, %c0_i32_0 : i32, i32, i32
  }
}

</mosaic_0001>

<sc_bundles>
// kernel: kernel.4.cloned.1.call-start
scs
__scs_entry_jumppad:
0x0: {  	(pc) =	sbr.rel $0x88, $3  }
0x1: {  	(tag) =	ssettag $0x0;
	lr =	simm.s32 $0x1  }
0x2: {  	[smem:$0x3F97] =	sst lr;
	_ =	strace $0xD0000000  }
0x3: {  	_ = 	snop  }
0x4: {  	_ = 	snop  }
0x5: {  	_ = 	snop  }
0x6: {  	_ = 	snop  }
0x7: {  	_ = 	snop  }
__scs_overlays_trampoline_lowered:
0x8: {  	[smem:$0x3FA6] =	sst s0  }
0x9: {  	[smem:$0x3FA7] =	sst s1  }
0xa: {  	[smem:$0x3FA8] =	sst s2  }
0xb: {  	[smem:$0x3FA9] =	sst s3  }
0xc: {  	[smem:$0x3FAA] =	sst s4  }
0xd: {  	[smem:$0x3FAB] =	sst s5  }
0xe: {  	[smem:$0x3FAC] =	sst s6  }
0xf: {  	[smem:$0x3FAD] =	sst s7  }
0x10: {  	[smem:$0x3FAE] =	sst s8  }
0x11: {  	[smem:$0x3FAF] =	sst s9;
	s0 =	simm.s32 @!p0 $0x0  }
0x12: {  	s1 =	sld [smem:$0x3F95];
	s0 =	simm.s32 @p0 $0x1  }
0x13: {  	[smem:$0x3FB0] =	sst s0;
	s0 =	simm.s32 @!p1 $0x0  }
0x14: {  	s2 =	sld [smem:$0x3F94];
	s0 =	simm.s32 @p1 $0x1  }
0x15: {  	[smem:$0x3FB1] =	sst s0;
	s0 =	simm.s32 @!p2 $0x0  }
0x16: {  	s3 =	sld [smem:$0x3FDB];
	s0 =	simm.s32 @p2 $0x1  }
0x17: {  	s4 =	simm.s32 $0x1BF5;
	[smem:$0x3FB3] =	sst s0  }
0x18: {  	s0 =	sld [smem:$0x3F96];
	_ =	swait.ge [sflag:s4], $0x0  }
0x19: {  	s7 =	sld [smem:$0x3F97]  }
0x1a: {  	s8 =	sadd.s32 $0xFFFFE003, lr  }
0x1b: {  	s9 =	sadd.s32 $0xFFFFFEF7, lr;
	s5 =	simm.s32 $0xFFFFFFFF;
	p2 =	slt.u32 s8, $0xFFFFF086  }
0x1c: {  	p1 =	slt.u32 s9, $0xF7A;
	s5 =	simm.s32 @!p2 $0x0  }
0x1d: {  	s5 =	simm.s32 @p1 $0x1;
	p0 =	seq.s32 s7, s2  }
0x1e: {  	s7 =	smul.u32 @!p0 $0xF7A, s2;
	p2 =	seq.s32 @!p0 s5, $0x0  }
0x1f: {  	s9 =	smul.u32 $0xF7A, s1;
	s8 =	simm.s32 @!p0 $0x1BF5;
	p2 =	por !p2, p0  }
0x20: {  	[sflag:s8] =	ssyncset.s32 @!p0 $0xFFFFF086;
	s6 =	sadd.s32 @!p0 s3, s7;
	s7 =	simm.s32 @!p0 $0x108  }
0x21: {  	s3 =	sadd.s32 s3, s9;
	s6 =	sadd.s32 @!p0 $0x88, s6;
	s7 =	simm.s32 @p2 $0x1082  }
0x22: {  	[simem:s7], [sflag:s8] =	dma.local @!p0 [hbm:s6], $0xF7A  }
0x23: {  	s9 =	sor.u32 $0xD0000000, s2;
	s6 =	simm.s32 $0x108;
	_ =	swait.ge @!p0 [sflag:s8], $0x0  }
0x24: {  	s3 =	sadd.s32 $0x88, s3;
	s6 =	simm.s32 @!p1 $0x1082;
	[sflag:s4] =	ssyncset.s32 $0xFFFFF086  }
0x25: {  	[simem:s6], [sflag:s4] =	dma.local [hbm:s3], $0xF7A  }
0x26: {  	[smem:$0x3F97] =	sst s1;
	(tag) =	ssettag s2;
	_ =	strace s9  }
0x27: {  	s1 =	sld [smem:$0x3FA7]  }
0x28: {  	s2 =	sld [smem:$0x3FA8]  }
0x29: {  	s4 =	sld [smem:$0x3FAA]  }
0x2a: {  	p0 =	seq.s32 s5, $0x0;
	s5 =	sld [smem:$0x3FAB]  }
0x2b: {  	s6 =	sld [smem:$0x3FAC]  }
0x2c: {  	s7 =	sld [smem:$0x3FAD]  }
0x2d: {  	s3 =	simm.s32 $0x108;
	s8 =	sld [smem:$0x3FAE]  }
0x2e: {  	s3 =	simm.s32 @!p0 $0x1082;
	s9 =	sld [smem:$0x3FAF]  }
0x2f: {  	lr =	sadd.s32 s0, s3;
	s0 =	sld [smem:$0x3FA6]  }
0x30: {  	s3 =	sld [smem:$0x3FA9]  }
0x31: {  	[smem:$0x3FB2] =	sst s10  }
0x32: {  	s10 =	sld [smem:$0x3FB0];
	_ =	sdelay $0x3  }
0x33: {  	p0 =	seq.s32 s10, $0x1;
	s10 =	sld [smem:$0x3FB2];
	_ =	sdelay $0x3  }
0x34: {  	[smem:$0x3FB2] =	sst s10  }
0x35: {  	s10 =	sld [smem:$0x3FB1];
	_ =	sdelay $0x3  }
0x36: {  	p1 =	seq.s32 s10, $0x1;
	s10 =	sld [smem:$0x3FB2];
	_ =	sdelay $0x3  }
0x37: {  	[smem:$0x3FB2] =	sst s10  }
0x38: {  	s10 =	sld [smem:$0x3FB3]  }
0x39: {  	_ = 	snop;
	(pc) =	sbr.ind lr, $3  }
0x3a: {  	_ = 	snop  }
0x3b: {  	_ = 	snop  }
0x3c: {  	p2 =	seq.s32 s10, $0x1;
	s10 =	sld [smem:$0x3FB2]  }
0x3d: {  	_ =	shalt  }
0x3e: {  	_ =	shalt  }
0x3f: {  	_ =	shalt  }
0x40: {  	_ =	shalt  }
0x41: {  	_ =	shalt  }
0x42: {  	_ =	shalt  }
0x43: {  	_ =	shalt  }
0x44: {  	_ =	shalt  }
0x45: {  	_ =	shalt  }
0x46: {  	_ =	shalt  }
0x47: {  	_ =	shalt  }
0x48: {  	_ =	shalt  }
0x49: {  	_ =	shalt  }
0x4a: {  	_ =	shalt  }
0x4b: {  	_ =	shalt  }
0x4c: {  	_ =	shalt  }
0x4d: {  	_ =	shalt  }
0x4e: {  	_ =	shalt  }
0x4f: {  	_ =	shalt  }
0x50: {  	_ =	shalt  }
0x51: {  	_ =	shalt  }
0x52: {  	_ =	shalt  }
0x53: {  	_ =	shalt  }
0x54: {  	_ =	shalt  }
0x55: {  	_ =	shalt  }
0x56: {  	_ =	shalt  }
0x57: {  	_ =	shalt  }
0x58: {  	_ =	shalt  }
0x59: {  	_ =	shalt  }
0x5a: {  	_ =	shalt  }
0x5b: {  	_ =	shalt  }
0x5c: {  	_ =	shalt  }
0x5d: {  	_ =	shalt  }
0x5e: {  	_ =	shalt  }
0x5f: {  	_ =	shalt  }
0x60: {  	_ =	shalt  }
0x61: {  	_ =	shalt  }
0x62: {  	_ =	shalt  }
0x63: {  	_ =	shalt  }
0x64: {  	_ =	shalt  }
0x65: {  	_ =	shalt  }
0x66: {  	_ =	shalt  }
0x67: {  	_ =	shalt  }
0x68: {  	_ =	shalt  }
0x69: {  	_ =	shalt  }
0x6a: {  	_ =	shalt  }
0x6b: {  	_ =	shalt  }
0x6c: {  	_ =	shalt  }
0x6d: {  	_ =	shalt  }
0x6e: {  	_ =	shalt  }
0x6f: {  	_ =	shalt  }
0x70: {  	_ =	shalt  }
0x71: {  	_ =	shalt  }
0x72: {  	_ =	shalt  }
0x73: {  	_ =	shalt  }
0x74: {  	_ =	shalt  }
0x75: {  	_ =	shalt  }
0x76: {  	_ =	shalt  }
0x77: {  	_ =	shalt  }
0x78: {  	_ =	shalt  }
0x79: {  	_ =	shalt  }
0x7a: {  	_ =	shalt  }
0x7b: {  	_ =	shalt  }
0x7c: {  	_ =	shalt  }
0x7d: {  	_ =	shalt  }
0x7e: {  	_ =	shalt  }
0x7f: {  	_ =	shalt  }
0x80: {  	_ =	shalt  }
0x81: {  	_ =	shalt  }
0x82: {  	_ =	shalt  }
0x83: {  	_ =	shalt  }
0x84: {  	_ =	shalt  }
0x85: {  	_ =	shalt  }
0x86: {  	_ =	shalt  }
0x87: {  	_ =	shalt  }
.Lfunc_end0:
.L_simem_size_0:
called_computation_lowered:
.L_overlay_start_0:
0x88: {  	s2 =	sld [smem:$0x3FD9]  }
0x89: {  	s3 =	sld [smem:$0x3FFE];
	_ =	sdelay $0x1  }
0x8a: {  	s1 =	srdreg.scid  }
0x8b: {  	s0 =	sand.u32 $0x1, s1  }
0x8c: {  	s17 =	sshll.u32 s0, $0xA;
	s2 =	sadd.s32 s3, s2  }
0x8d: {  	s2 =	sadd.s32 s2, s17  }
0x8e: {  	[smem:$0x3FBE] =	sst s2  }
0x8f: {  	_ = 	snop  }
0x90: {  	s2 =	sld [smem:$0x3FC8]  }
0x91: {  	s18 =	sld [smem:$0x3FC7]  }
0x92: {  	s4 =	sld [smem:$0x3FC6]  }
0x93: {  	s5 =	sld [smem:$0x3FD0];
	(tm) =	ssettm $0x1  }
0x94: {  	s6 =	sld [smem:$0x3FFB];
	_ =	sdelay $0x3  }
0x95: {  	_ =	strace s6  }
0x96: {  	s6 =	sld [smem:$0x3FFC];
	_ =	sdelay $0x3  }
0x97: {  	_ =	strace s6  }
0x98: {  	s6 =	sld [smem:$0x3FFD];
	_ =	sdelay $0x3  }
0x99: {  	_ =	strace s6  }
0x9a: {  	_ =	strace $0x8FFFFFFF  }
0x9b: {  	s19 =	sld [smem:$0x3FDB];
	_ =	sdelay $0x1  }
0x9c: {  	s7 =	simm.s32 $_scs_section_size  }
0x9d: {  	s8 =	simm.s32 $_size__tile_overlayer_lowered;
	s9 =	simm.s32 $_tile_overlayer_lowered  }
0x9e: {  	s22 =	simm.s32 $0x1BFF;
	s21 =	sshll.u32 s9, $0x1;
	s6 =	sadd.s32 s7, s19  }
0x9f: {  	s10 =	simm.s32 $0x0;
	s20 =	sshll.u32 s8, $0x1;
	s8 =	sadd.s32 s21, s6  }
0xa0: {  	[timem:s10], [sflag:s22] =	dma.local [hbm:s8], s20  }
0xa1: {  	_ =	swait.ge [sflag:s22], s20  }
0xa2: {  	s7 =	ssub.s32 $0x0, s20;
	[sflag:s22] =	ssyncset.done $0x0  }
0xa3: {  	[sflag:s22] =	ssyncadd.s32 s7;
	_ =	sdelay $0x1  }
0xa4: {  	s23 =	simm.s32 $0x1B8B  }
0xa5: {  	_ =	swait.ge [sflag:s23], $0x1  }
0xa6: {  	[sflag:s23] =	ssyncset.done $0x0  }
0xa7: {  	s25 =	simm.s32 $0x1B8E;
	s24 =	sld [smem:$0x3FFE];
	[sflag:s23] =	ssyncadd.s32 $0xFFFFFFFF  }
0xa8: {  	s26 =	simm.s32 $execute0_lowered;
	[smem:$0x3FD2] =	sst s25  }
0xa9: {  	s8 =	sshll.u32 s26, $0x1;
	_ =	strace $0x80000046;
	[dreg:$0x1] =	wrdreg $0xFFFFFFFF  }
0xaa: {  	s28 =	simm.s32 $_size_execute0_lowered;
	s6 =	sadd.s32 s6, s8;
	[dreg:$0x0] =	wrdreg $0x0  }
0xab: {  	s8 =	sshll.u32 s28, $0x1;
	[dreg:$0x2] =	wrdreg s6  }
0xac: {  	[dreg:$0x3] =	wrdreg s8  }
0xad: {  	[dreg:$0x4] =	wrdreg $0xC0  }
0xae: {  	_ =	task [dreg:s10], $0x5FFFF  }
0xaf: {  	[dreg:$0x1] =	wrdreg $0xFFFFFFFF  }
0xb0: {  	[dreg:$0x0] =	wrdreg $0x60  }
0xb1: {  	[dreg:$0x2] =	wrdreg s24  }
0xb2: {  	[dreg:$0x3] =	wrdreg s2  }
0xb3: {  	[dreg:$0x4] =	wrdreg s18  }
0xb4: {  	[dreg:$0x5] =	wrdreg s4  }
0xb5: {  	[dreg:$0x6] =	wrdreg s5  }
0xb6: {  	[dreg:$0x7] =	wrdreg $0x9  }
0xb7: {  	_ =	task.clear_ibuf [dreg:s10], $0x8FFFF;
	_ =	strace $0x90000046  }
0xb8: {  	s29 =	simm.s32 $0x9;
	_ =	strace $0x80000048  }
0xb9: {  	_ =	swait.ge [sflag:s29], $0x1  }
0xba: {  	[sflag:s29] =	ssyncadd.s32 $0xFFFFFFFF  }
0xbb: {  	_ =	strace $0x90000048  }
0xbc: {  	_ =	sfence  }
0xbd: {  	s30 =	sld [smem:$0x0];
	_ =	sdelay $0x2  }
0xbe: {  	s31 =	sshll.u32 s1, $0xD;
	s1 =	sshrl.u32 s1, $0x2  }
0xbf: {  	s3 =	sand.u32 $0x4000, s31;
	s1 =	sadd.s32 s1, s30  }
0xc0: {  	s0 =	sor.u32 s3, s0;
	s1 =	sshll.u32 s1, $0x11  }
0xc1: {  	s0 =	sor.u32 s1, s0  }
0xc2: {  	s0 =	sadd.s32 $0x8F2B, s0  }
0xc3: {  	[sflag:s0] =	ssyncadd.remote.s32 $0x1  }
0xc4: {  	_ =	sfence.sel $0xFFFF  }
0xc5: {  	[dreg:$0x0] =	wrdreg $0xFFFFFFFF;
	(pc) =	sbr.abs _section_cstart, $3  }
0xc6: {  	[dreg:$0x1] =	wrdreg $0xFFFFFFFF  }
0xc7: {  	_ =	task.clear_ibuf [dreg:s10], $0x2FFFF;
	_ =	strace $0x9FFFFFFF  }
0xc8: {  	(tm) =	ssettm $0x7FFFFFFF  }
0xc9: {  	_ =	shalt  }
tec
execute0_lowered:
.L_overlay_start_1:
0x0: {  	(tag) =	ssettag $0x1  }
0x1: {  	s6 =	rddreg [dreg:$0x0]  }
0x2: {  	s1 =	rddreg [dreg:$0x1]  }
0x3: {  	s2 =	rddreg [dreg:$0x2]  }
0x4: {  	s3 =	rddreg [dreg:$0x3]  }
0x5: {  	s10 =	rddreg [dreg:$0x4]  }
0x6: {  	s0 =	rddreg [dreg:$0x5];
	s5 =	simm.s32 $0x0;
	s7 =	srdreg.scid  }
0x7: {  	s4 =	stileid.u32;
	s16 =	simm.s32 $0x2;
	s17 =	simm.s32 $0x1  }
0x8: {  	s18 =	simm.s32 $0x80;
	s19 =	simm.s32 $0x400;
	s20 =	simm.s32 $0x10000  }
0x9: {  	s21 =	simm.s32 $0x3;
	s22 =	simm.s32 $0x0;
	[smem:$0x7FF] =	sst s5  }
0xa: {  	s7 =	sand.u32 $0x1, s7;
	s8 =	sshll.u32 s4, $0x2;
	s11 =	sadd.s32 $0xE00, s6  }
0xb: {  	s6 =	sadd.s32 $0xC00, s6;
	s9 =	sshll.u32 s7, $0x1;
	s7 =	ssub.s32 $0x2, s7  }
0xc: {  	_ =	strace $0x80000047;
	s8 =	sor.u32 s9, s8;
	s28 =	sshrl.u32 s7, $0x1  }
0xd: {  	s12 =	sor.u32 $0x1, s8;
	s13 =	sshll.u32 s8, $0xD;
	s8 =	sshll.u32 s8, $0x7  }
0xe: {  	s15 =	ssub.s32 s7, s28;
	s14 =	sshll.u32 s12, $0x7;
	s8 =	sor.u32 s8, s13  }
0xf: {  	s7 =	sadd.s32 s11, s13;
	s12 =	sshll.u32 s12, $0xD;
	s29 =	sor.u32 s13, s14  }
0x10: {  	s8 =	sand.u32 $0x70300, s8;
	s13 =	simm.s32 $0x14000;
	s14 =	simm.s32 $0x16000  }
0x11: {  	s9 =	sand.u32 $0x70380, s29;
	s30 =	sshrl.u32 s8, $0x3;
	s8 =	sadd.s32 s11, s12  }
0x12: {  	s11 =	smax.u32 s15, $0x1;
	s12 =	simm.s32 $0x12000;
	s31 =	sshrl.u32 s9, $0x3  }
0x13: {  	s15 =	simm.s32 $0x1A000;
	s9 =	sadd.s32 s10, s30;
	s10 =	sadd.s32 s10, s31  }
.LBB2_1:
0x14: {  	[tilespmem:s5], [sflag:$0x1] =	stream.linear.gather [hbm4b:s7+s5], $0x10000, $0x38;
	[tilespmem:$0x1A080] =	vst v63  }
0x15: {  	_ = 	snop  }
0x16: {  	[tilespmem:s12], [sflag:$0x2] =	stream.linear.gather [hbm4b:s1+s5], $0x2000, $0x38;
	[tilespmem:$0x1A080] =	vst v63  }
0x17: {  	_ = 	snop  }
0x18: {  	[tilespmem:s13], [sflag:$0x2] =	stream.linear.gather [hbm4b:s2+s5], $0x2000, $0x38;
	[tilespmem:$0x1A080] =	vst v63  }
0x19: {  	_ = 	snop  }
0x1a: {  	[tilespmem:s14], [sflag:$0x2] =	stream.linear.gather [hbm4b:s3+s5], $0x2000, $0x38;
	[tilespmem:$0x1A080] =	vst v63  }
0x1b: {  	_ = 	snop  }
0x1c: {  	[tilespmem:s15], [sflag:$0x2] =	stream.linear.gather [hbm4b:s6+s5], $0x80, $0x38;
	[tilespmem:$0x1A080] =	vst v63  }
0x1d: {  	_ =	swait.ge [sflag:s16], $0x2000  }
0x1e: {  	[sflag:s16] =	ssyncset.done $0x0  }
0x1f: {  	[sflag:s16] =	ssyncadd.s32 $0xFFFFE000  }
0x20: {  	_ =	swait.ge [sflag:s16], $0x2000  }
0x21: {  	[sflag:s16] =	ssyncset.done $0x0  }
0x22: {  	[sflag:s16] =	ssyncadd.s32 $0xFFFFE000  }
0x23: {  	_ =	swait.ge [sflag:s16], $0x2000  }
0x24: {  	[sflag:s16] =	ssyncset.done $0x0  }
0x25: {  	[sflag:s16] =	ssyncadd.s32 $0xFFFFE000  }
0x26: {  	_ =	swait.ge [sflag:s16], $0x80  }
0x27: {  	[sflag:s16] =	ssyncset.done $0x0  }
0x28: {  	s23 =	simm.s32 $0x16040;
	[sflag:s16] =	ssyncadd.s32 $0xFFFFFF80  }
0x29: {  	v0 =	vld [tilespmem:s23+$0x30]  }
0x2a: {  	v1 =	vld [tilespmem:s23+$0xFFFFFFD0]  }
0x2b: {  	v2 =	vld [tilespmem:s23+$0xFFFFFFE0]  }
0x2c: {  	v3 =	vld [tilespmem:s23+$0xFFFFFFF0]  }
0x2d: {  	v4 =	vld [tilespmem:s23+$0x0]  }
0x2e: {  	v6 =	vld [tilespmem:s23+$0x10]  }
0x2f: {  	v7 =	vld [tilespmem:s23+$0x20]  }
0x30: {  	v8 =	vld [tilespmem:s23+$0xFFFFFFC0]  }
0x31: {  	v9 =	vld.idx.msk [tilespmem:v0+s15+$0x0], $0xffff  }
0x32: {  	v10 =	vld.idx.msk [tilespmem:v1+s15+$0x0], $0xffff  }
0x33: {  	v5 =	vld.idx.msk [tilespmem:v2+s15+$0x0], $0xffff  }
0x34: {  	v3 =	vld.idx.msk [tilespmem:v3+s15+$0x0], $0xffff  }
0x35: {  	v0 =	vld.idx.msk [tilespmem:v4+s15+$0x0], $0xffff  }
0x36: {  	s23 =	simm.s32 $0x18040;
	v1 =	vld.idx.msk [tilespmem:v6+s15+$0x0], $0xffff  }
0x37: {  	v2 =	vld.idx.msk [tilespmem:v7+s15+$0x0], $0xffff;
	[tilespmem:s23+$0x30] =	vst v9  }
0x38: {  	s24 =	simm.s32 $0x0;
	s25 =	simm.s32 $0x160C0;
	v4 =	vld.idx.msk [tilespmem:v8+s15+$0x0], $0xffff;
	[tilespmem:s23+$0xFFFFFFD0] =	vst v10  }
.LBB2_2:
0x39: {  	v6 =	vld [tilespmem:s25+$0x30];
	s24 =	sadd.s32 $0x8, s24;
	[tilespmem:s23+$0xFFFFFFE0] =	vst v5  }
0x3a: {  	v5 =	vld [tilespmem:s25+$0xFFFFFFD0];
	p0 =	slt.u32 s24, $0x1F8;
	[tilespmem:s23+$0xFFFFFFF0] =	vst v3  }
0x3b: {  	v3 =	vld [tilespmem:s25+$0xFFFFFFE0];
	[tilespmem:s23+$0x0] =	vst v0  }
0x3c: {  	v0 =	vld [tilespmem:s25+$0xFFFFFFF0];
	[tilespmem:s23+$0x10] =	vst v1  }
0x3d: {  	v1 =	vld [tilespmem:s25+$0x0];
	[tilespmem:s23+$0x20] =	vst v2  }
0x3e: {  	v2 =	vld [tilespmem:s25+$0x10];
	[tilespmem:s23+$0xFFFFFFC0] =	vst v4  }
0x3f: {  	v4 =	vld [tilespmem:s25+$0x20]  }
0x40: {  	v7 =	vld [tilespmem:s25+$0xFFFFFFC0]  }
0x41: {  	v6 =	vld.idx.msk [tilespmem:v6+s15+$0x0], $0xffff  }
0x42: {  	v8 =	vld.idx.msk [tilespmem:v5+s15+$0x0], $0xffff  }
0x43: {  	v5 =	vld.idx.msk [tilespmem:v3+s15+$0x0], $0xffff  }
.Ltmp0:
0x44: {  	v3 =	vld.idx.msk [tilespmem:v0+s15+$0x0], $0xffff;
	(pc) =	sbr.rel @p0 .LBB2_2-.Ltmp0, $4  }
0x45: {  	v0 =	vld.idx.msk [tilespmem:v1+s15+$0x0], $0xffff  }
0x46: {  	s23 =	sadd.s32 $0x80, s23;
	v1 =	vld.idx.msk [tilespmem:v2+s15+$0x0], $0xffff  }
0x47: {  	v2 =	vld.idx.msk [tilespmem:v4+s15+$0x0], $0xffff;
	[tilespmem:s23+$0x30] =	vst v6  }
0x48: {  	s25 =	sadd.s32 $0x80, s25;
	v4 =	vld.idx.msk [tilespmem:v7+s15+$0x0], $0xffff;
	[tilespmem:s23+$0xFFFFFFD0] =	vst v8  }
0x49: {  	[tilespmem:s23+$0xFFFFFFE0] =	vst v5  }
0x4a: {  	[tilespmem:s23+$0xFFFFFFF0] =	vst v3  }
0x4b: {  	[tilespmem:s23+$0x0] =	vst v0  }
0x4c: {  	[tilespmem:s23+$0x10] =	vst v1  }
0x4d: {  	[tilespmem:s23+$0x20] =	vst v2  }
0x4e: {  	[tilespmem:s23+$0xFFFFFFC0] =	vst v4  }
0x4f: {  	_ =	swait.ge [sflag:s17], $0x10000  }
0x50: {  	[sflag:s17] =	ssyncset.done $0x0  }
0x51: {  	s24 =	simm.s32 $0x12080;
	[sflag:s17] =	ssyncadd.s32 $0xFFFF0000  }
0x52: {  	s31 =	simm.s32 $0x14080;
	v53 =	vld [tilespmem:s24+$0x70]  }
0x53: {  	v54 =	vld [tilespmem:s31+$0x70]  }
0x54: {  	v55 =	vld [tilespmem:s31+$0xFFFFFF80]  }
0x55: {  	v56 =	vld [tilespmem:s24+$0xFFFFFF90]  }
0x56: {  	v4 =	vld [tilespmem:s31+$0xFFFFFF90]  }
0x57: {  	v5 =	vld [tilespmem:s24+$0xFFFFFFA0]  }
0x58: {  	v9 =	vld [tilespmem:s24+$0xFFFFFFB0]  }
0x59: {  	v14 =	vld [tilespmem:s24+$0xFFFFFFD0]  }
0x5a: {  	v58 =	vld [tilespmem:s31+$0xFFFFFFD0];
	v7 =	vshll.u32 v53, $0x8;
	v8 =	vshll.u32 v54, $0x3;
	v0 =	vshll.u32 v53, $0x7  }
0x5b: {  	v19 =	vld [tilespmem:s24+$0xFFFFFFE0];
	v1 =	vand.u32 $0x7F, v54;
	v7 =	vand.u32 $0xFFFFF800, v7;
	v8 =	vand.u32 $0xFFFFFC00, v8  }
0x5c: {  	v59 =	vld [tilespmem:s31+$0xFFFFFFE0];
	v11 =	vshll.u32 v55, $0x3;
	v0 =	vand.u32 $0x380, v0;
	v7 =	vadd.s32 v7, v8  }
0x5d: {  	v12 =	vshll.u32 v56, $0x8;
	v57 =	vshll.u32 v4, $0x3;
	v7 =	vor.u32 v0, v7  }
0x5e: {  	v6 =	vld [tilespmem:s31+$0xFFFFFFA0];
	v13 =	vshll.u32 v5, $0x8;
	v17 =	vshll.u32 v9, $0x8;
	v7 =	vor.u32 v1, v7  }
0x5f: {  	s25 =	simm.s32 $0x18080;
	v10 =	vld [tilespmem:s31+$0xFFFFFFB0];
	v20 =	vshll.u32 v56, $0x7;
	v5 =	vshll.u32 v5, $0x7;
	v23 =	vshll.u32 v9, $0x7  }
0x60: {  	v9 =	vld [tilespmem:s25+$0x70];
	v27 =	vshll.u32 v58, $0x3;
	v28 =	vshll.u32 v19, $0x8;
	v29 =	vshll.u32 v14, $0x7  }
0x61: {  	v30 =	vshll.u32 v59, $0x3;
	v19 =	vshll.u32 v19, $0x7;
	v3 =	vand.u32 $0x7F, v55;
	v8 =	vld [tilespmem:s24+$0xFFFFFFC0]  }
0x62: {  	v4 =	vand.u32 $0x7F, v4;
	v2 =	vand.u32 $0x7F, v59;
	v15 =	vand.u32 $0xFFFFFC00, v11;
	v0 =	vld [tilespmem:s31+$0xFFFFFFC0]  }
0x63: {  	v12 =	vand.u32 $0xFFFFF800, v12;
	v11 =	vshll.u32 v6, $0x3;
	v16 =	vand.u32 $0xFFFFFC00, v57;
	v7 =	vld.idx.msk [tilespmem:v7+s5+$0x0], $0xffff  }
0x64: {  	v13 =	vand.u32 $0xFFFFF800, v13;
	v17 =	vand.u32 $0xFFFFF800, v17;
	v27 =	vand.u32 $0xFFFFFC00, v27  }
0x65: {  	v30 =	vand.u32 $0xFFFFFC00, v30;
	v18 =	vand.u32 $0xFFFFFC00, v11;
	v11 =	vshll.u32 v10, $0x3  }
0x66: {  	v25 =	vld [tilespmem:s24+$0xFFFFFFF0];
	v20 =	vand.u32 $0x380, v20;
	v5 =	vand.u32 $0x380, v5;
	v21 =	vand.u32 $0xFFFFFC00, v11  }
0x67: {  	v16 =	vadd.s32 v12, v16;
	v12 =	vld [tilespmem:s31+$0x0];
	v17 =	vadd.s32 v17, v21;
	v11 =	vshll.u32 v8, $0x8  }
0x68: {  	v21 =	vld [tilespmem:s24+$0x10];
	v22 =	vand.u32 $0xFFFFF800, v11;
	v11 =	vshll.u32 v0, $0x3;
	v7 =	vadd.f32 v9, v7  }
0x69: {  	v24 =	vand.u32 $0xFFFFFC00, v11;
	v11 =	vshll.u32 v14, $0x8;
	v14 =	vand.u32 $0xFFFFF800, v28;
	v28 =	vld [tilespmem:s24+$0x0]  }
0x6a: {  	v23 =	vand.u32 $0x380, v23;
	v6 =	vand.u32 $0x7F, v6;
	v26 =	vand.u32 $0xFFFFF800, v11;
	v11 =	vld [tilespmem:s31+$0xFFFFFFF0];
	[tilespmem:$0x1FFA0] =	vst v7  }
0x6b: {  	v10 =	vand.u32 $0x7F, v10;
	v18 =	vadd.s32 v13, v18;
	v16 =	vor.u32 v20, v16;
	v13 =	vld [tilespmem:s31+$0x10]  }
0x6c: {  	v5 =	vor.u32 v5, v18;
	v4 =	vor.u32 v4, v16;
	v7 =	vadd.s32 v26, v27;
	v27 =	vld [tilespmem:s24+$0x20]  }
0x6d: {  	v1 =	vand.u32 $0x7F, v58;
	v16 =	vor.u32 v23, v17;
	v30 =	vadd.s32 v14, v30;
	v14 =	vld [tilespmem:s31+$0x20]  }
0x6e: {  	v5 =	vor.u32 v6, v5;
	v16 =	vor.u32 v10, v16;
	v32 =	vshll.u32 v12, $0x3;
	v35 =	vld [tilespmem:s24+$0xFFFFFF80]  }
0x6f: {  	v8 =	vshll.u32 v8, $0x7;
	v12 =	vand.u32 $0x7F, v12;
	v32 =	vand.u32 $0xFFFFFC00, v32;
	v36 =	vld [tilespmem:s31+$0x30]  }
0x70: {  	v33 =	vshll.u32 v21, $0x8;
	v21 =	vshll.u32 v21, $0x7;
	v22 =	vadd.s32 v22, v24;
	v38 =	vld [tilespmem:s24+$0x40]  }
0x71: {  	v24 =	vshll.u32 v25, $0x8;
	v25 =	vshll.u32 v25, $0x7;
	v46 =	vand.u32 $0xFFFFF800, v33;
	v51 =	vld [tilespmem:s24+$0x50]  }
0x72: {  	v21 =	vand.u32 $0x380, v21;
	v24 =	vand.u32 $0xFFFFF800, v24;
	v26 =	vshll.u32 v11, $0x3;
	v41 =	vld [tilespmem:s31+$0x50]  }
0x73: {  	v31 =	vshll.u32 v28, $0x8;
	v28 =	vshll.u32 v28, $0x7;
	v26 =	vand.u32 $0xFFFFFC00, v26;
	v43 =	vld [tilespmem:s24+$0x60]  }
0x74: {  	v58 =	vand.u32 $0x7F, v11;
	v52 =	vld [tilespmem:s31+$0x60];
	v24 =	vadd.s32 v24, v26;
	v26 =	vand.u32 $0xFFFFF800, v31  }
0x75: {  	v60 =	vld [tilespmem:s25+$0xFFFFFF80];
	v26 =	vadd.s32 v26, v32;
	v34 =	vshll.u32 v13, $0x3;
	v48 =	vshll.u32 v27, $0x8  }
0x76: {  	v9 =	vld [tilespmem:s25+$0xFFFFFFC0];
	v27 =	vshll.u32 v27, $0x7;
	v37 =	vshll.u32 v14, $0x3;
	v40 =	vshll.u32 v35, $0x8  }
0x77: {  	v31 =	vld [tilespmem:s24+$0x30];
	v35 =	vshll.u32 v35, $0x7;
	v42 =	vshll.u32 v36, $0x3;
	v17 =	vshll.u32 v38, $0x8  }
0x78: {  	v18 =	vld [tilespmem:s25+$0xFFFFFFA0];
	v20 =	vshll.u32 v38, $0x7;
	v62 =	vshll.u32 v51, $0x8;
	v40 =	vand.u32 $0xFFFFF800, v40  }
0x79: {  	v23 =	vld [tilespmem:s25+$0xFFFFFFB0];
	v44 =	vshll.u32 v52, $0x3;
	v35 =	vand.u32 $0x380, v35;
	v15 =	vadd.s32 v40, v15  }
0x7a: {  	v59 =	vand.u32 $0x7F, v13;
	v50 =	vand.u32 $0xFFFFFC00, v37;
	v37 =	vld [tilespmem:s31+$0x40];
	v15 =	vor.u32 v35, v15  }
0x7b: {  	v14 =	vand.u32 $0x7F, v14;
	v36 =	vand.u32 $0x7F, v36;
	v3 =	vor.u32 v3, v15;
	v15 =	vld [tilespmem:s25+$0xFFFFFF90];
	[tilespmem:$0x1FFF0] =	vst v9  }
0x7c: {  	v47 =	vand.u32 $0xFFFFFC00, v34;
	v49 =	vand.u32 $0xFFFFF800, v48;
	v39 =	vshll.u32 v31, $0x8;
	v54 =	vld.idx.msk [tilespmem:v4+s5+$0x0], $0xffff  }
0x7d: {  	v31 =	vshll.u32 v31, $0x7;
	v6 =	vand.u32 $0xFFFFFC00, v42;
	v17 =	vand.u32 $0xFFFFF800, v17;
	v45 =	vld.idx.msk [tilespmem:v5+s5+$0x0], $0xffff  }
0x7e: {  	s26 =	simm.s32 $0x12180;
	v34 =	vshll.u32 v51, $0x7;
	v53 =	vand.u32 $0xFFFFF800, v62;
	v27 =	vand.u32 $0x380, v27;
	v55 =	vld.idx.msk [tilespmem:v16+s5+$0x0], $0xffff  }
0x7f: {  	s23 =	simm.s32 $0x14180;
	v32 =	vadd.s32 v46, v47;
	v33 =	vadd.s32 v49, v50;
	v39 =	vand.u32 $0xFFFFF800, v39;
	v47 =	vld [tilespmem:s26+$0x70]  }
0x80: {  	v61 =	vadd.s32 v39, v6;
	v32 =	vor.u32 v21, v32;
	v57 =	vld [tilespmem:s23+$0xFFFFFF80];
	v6 =	vshll.u32 v37, $0x3  }
0x81: {  	v33 =	vor.u32 v27, v33;
	v4 =	vshll.u32 v41, $0x3;
	v9 =	vld [tilespmem:s26+$0xFFFFFF90];
	v6 =	vand.u32 $0xFFFFFC00, v6  }
0x82: {  	v16 =	vshll.u32 v43, $0x7;
	v21 =	vld [tilespmem:s26+$0xFFFFFFC0];
	v17 =	vadd.s32 v17, v6;
	v6 =	vshll.u32 v43, $0x8  }
0x83: {  	v11 =	vld [tilespmem:s23+$0xFFFFFFD0];
	v4 =	vand.u32 $0xFFFFFC00, v4;
	v5 =	vand.u32 $0xFFFFF800, v6;
	v6 =	vand.u32 $0xFFFFFC00, v44  }
0x84: {  	v16 =	vand.u32 $0x380, v16;
	v46 =	vadd.s32 v5, v6;
	v6 =	vand.u32 $0x380, v29;
	v29 =	vld [tilespmem:s23+$0x70]  }
0x85: {  	v13 =	vld [tilespmem:s23+$0xFFFFFFE0];
	v56 =	vadd.s32 v53, v4;
	v5 =	vand.u32 $0x380, v8;
	v8 =	vand.u32 $0x380, v19  }
0x86: {  	v4 =	vld [tilespmem:s23+$0xFFFFFFC0];
	v19 =	vand.u32 $0x380, v25;
	v25 =	vand.u32 $0x380, v28;
	v28 =	vand.u32 $0x380, v31  }
0x87: {  	v63 =	vld.idx.msk [tilespmem:v3+s5+$0x0], $0xffff;
	v31 =	vand.u32 $0x380, v20;
	v22 =	vor.u32 v5, v22;
	v48 =	vor.u32 v6, v7  }
0x88: {  	v20 =	vld [tilespmem:s26+$0xFFFFFFA0];
	v30 =	vor.u32 v8, v30;
	v24 =	vor.u32 v19, v24;
	v25 =	vor.u32 v25, v26  }
0x89: {  	v5 =	vld [tilespmem:s23+$0xFFFFFF90];
	v7 =	vshll.u32 v47, $0x8;
	v47 =	vshll.u32 v47, $0x7;
	v8 =	vshll.u32 v29, $0x3  }
0x8a: {  	v6 =	vld [tilespmem:s23+$0xFFFFFFA0];
	v17 =	vor.u32 v31, v17;
	v26 =	vand.u32 $0xFFFFF800, v7;
	v8 =	vand.u32 $0xFFFFFC00, v8  }
0x8b: {  	v19 =	vld [tilespmem:s26+$0xFFFFFFB0];
	v31 =	vor.u32 v16, v46;
	v8 =	vadd.s32 v26, v8;
	v26 =	vand.u32 $0x380, v47  }
0x8c: {  	v16 =	vand.u32 $0x7F, v0;
	v0 =	vld [tilespmem:s26+$0xFFFFFFE0];
	v27 =	vand.u32 $0x7F, v29;
	v26 =	vor.u32 v26, v8  }
0x8d: {  	v34 =	vand.u32 $0x380, v34;
	v40 =	vand.u32 $0x7F, v52;
	v7 =	vld [tilespmem:s23+$0xFFFFFFB0];
	v26 =	vor.u32 v27, v26  }
0x8e: {  	v33 =	vor.u32 v14, v33;
	v37 =	vand.u32 $0x7F, v37;
	v43 =	vor.u32 v2, v30;
	v2 =	vld [tilespmem:s26+$0xFFFFFFF0]  }
0x8f: {  	s24 =	simm.s32 $0x18180;
	v41 =	vand.u32 $0x7F, v41;
	v3 =	vshll.u32 v11, $0x3;
	v50 =	vor.u32 v37, v17;
	v17 =	vld [tilespmem:s23+$0xFFFFFFF0]  }
0x90: {  	v28 =	vor.u32 v28, v61;
	v29 =	vor.u32 v34, v56;
	v34 =	vld [tilespmem:s24+$0x70];
	v8 =	vadd.f32 v15, v54  }
0x91: {  	v22 =	vor.u32 v16, v22;
	v1 =	vor.u32 v1, v48;
	v46 =	vor.u32 v58, v24;
	v27 =	vld [tilespmem:s26+$0xFFFFFFD0]  }
0x92: {  	v42 =	vand.u32 $0xFFFFFC00, v3;
	v48 =	vor.u32 v59, v32;
	v26 =	vld.idx.msk [tilespmem:v26+s5+$0x0], $0xffff;
	[tilespmem:$0x1FFB0] =	vst v8;
	v8 =	vadd.f32 v18, v45  }
0x93: {  	v49 =	vor.u32 v36, v28;
	v30 =	vor.u32 v40, v31;
	v24 =	vshll.u32 v9, $0x8  }
0x94: {  	v16 =	vadd.f32 v60, v63;
	v28 =	vshll.u32 v20, $0x8;
	[tilespmem:$0x1FFC0] =	vst v8;
	v8 =	vadd.f32 v23, v55  }
0x95: {  	v56 =	vshll.u32 v13, $0x3;
	v51 =	vor.u32 v41, v29;
	v29 =	vshll.u32 v6, $0x3  }
0x96: {  	v36 =	vand.u32 $0xFFFFF800, v28;
	v47 =	vor.u32 v12, v25;
	v25 =	vshll.u32 v5, $0x3;
	v32 =	vld [tilespmem:s26+$0x0];
	[tilespmem:$0x1FFD0] =	vst v8  }
0x97: {  	v37 =	vand.u32 $0xFFFFFC00, v29;
	v28 =	vshll.u32 v7, $0x3;
	v29 =	vshll.u32 v21, $0x8;
	v18 =	vld [tilespmem:s23+$0x0]  }
0x98: {  	v41 =	vshll.u32 v2, $0x8;
	v35 =	vand.u32 $0xFFFFFC00, v25;
	v23 =	vshll.u32 v57, $0x3;
	v31 =	vld [tilespmem:s26+$0x10]  }
0x99: {  	v25 =	vshll.u32 v19, $0x8;
	v45 =	vand.u32 $0xFFFFFC00, v23;
	v23 =	vand.u32 $0xFFFFF800, v24;
	v24 =	vld [tilespmem:s23+$0x10]  }
0x9a: {  	v61 =	vand.u32 $0xFFFFFC00, v28;
	v62 =	vand.u32 $0xFFFFF800, v29;
	v28 =	vshll.u32 v4, $0x3;
	v52 =	vld [tilespmem:s26+$0x20]  }
0x9b: {  	v58 =	vadd.s32 v36, v37;
	v60 =	vand.u32 $0xFFFFF800, v25;
	v29 =	vshll.u32 v27, $0x8;
	v25 =	vld [tilespmem:s23+$0x20]  }
0x9c: {  	v63 =	vand.u32 $0xFFFFFC00, v28;
	v44 =	vand.u32 $0xFFFFF800, v29;
	v29 =	vshll.u32 v0, $0x8;
	v53 =	vld [tilespmem:s26+$0x30]  }
0x9d: {  	v15 =	vmovc v57;
	v55 =	vand.u32 $0xFFFFF800, v29;
	v57 =	vadd.s32 v23, v35;
	v23 =	vand.u32 $0xFFFFFC00, v56;
	v28 =	vld [tilespmem:s23+$0x30]  }
0x9e: {  	v56 =	vadd.s32 v60, v61;
	v60 =	vadd.s32 v62, v63;
	v54 =	vld [tilespmem:s26+$0x40];
	v40 =	vadd.f32 v34, v26  }
0x9f: {  	v61 =	vadd.s32 v44, v42;
	v29 =	vld [tilespmem:s23+$0x40];
	v55 =	vadd.s32 v55, v23;
	v23 =	vshll.u32 v17, $0x3  }
0xa0: {  	v42 =	vand.u32 $0xFFFFF800, v41;
	v59 =	vld [tilespmem:s26+$0x50];
	v23 =	vand.u32 $0xFFFFFC00, v23;
	[tilespmem:$0x1FFE0] =	vst v40;
	v44 =	vshll.u32 v32, $0x8  }
0xa1: {  	v63 =	vadd.s32 v42, v23;
	v35 =	vld [tilespmem:s23+$0x50];
	v23 =	vand.u32 $0xFFFFF800, v44;
	v3 =	vshll.u32 v18, $0x3  }
0xa2: {  	v62 =	vld [tilespmem:s26+$0x60];
	v44 =	vshll.u32 v31, $0x8;
	v42 =	vand.u32 $0xFFFFFC00, v3;
	v3 =	vshll.u32 v24, $0x3  }
0xa3: {  	v36 =	vld.idx.msk [tilespmem:v22+s5+$0x0], $0xffff;
	v22 =	vand.u32 $0xFFFFF800, v44;
	v41 =	vadd.s32 v23, v42;
	v23 =	vand.u32 $0xFFFFFC00, v3  }
0xa4: {  	v26 =	vld.idx.msk [tilespmem:v1+s5+$0x0], $0xffff;
	v1 =	vshll.u32 v52, $0x8;
	v44 =	vadd.s32 v22, v23;
	v22 =	vshll.u32 v25, $0x3  }
0xa5: {  	v9 =	vshll.u32 v9, $0x7;
	v40 =	vld [tilespmem:s26+$0xFFFFFF80];
	v1 =	vand.u32 $0xFFFFF800, v1;
	v22 =	vand.u32 $0xFFFFFC00, v22  }
0xa6: {  	v38 =	vld.idx.msk [tilespmem:v43+s5+$0x0], $0xffff;
	v23 =	vshll.u32 v53, $0x8;
	v43 =	vadd.s32 v1, v22;
	v22 =	vshll.u32 v28, $0x3  }
0xa7: {  	v34 =	vld [tilespmem:s23+$0x60];
	v37 =	vand.u32 $0xFFFFF800, v23;
	v23 =	vshll.u32 v54, $0x8;
	v22 =	vand.u32 $0xFFFFFC00, v22  }
0xa8: {  	v39 =	vld.idx.msk [tilespmem:v46+s5+$0x0], $0xffff;
	v42 =	vshll.u32 v29, $0x3;
	v46 =	vadd.s32 v37, v22;
	v37 =	vand.u32 $0xFFFFF800, v23  }
0xa9: {  	v22 =	vand.u32 $0xFFFFFC00, v42;
	v42 =	vld.idx.msk [tilespmem:v33+s5+$0x0], $0xffff;
	v23 =	vshll.u32 v59, $0x8;
	v33 =	vshll.u32 v35, $0x3  }
0xaa: {  	v47 =	vld.idx.msk [tilespmem:v47+s5+$0x0], $0xffff;
	v3 =	vadd.s32 v37, v22;
	v23 =	vand.u32 $0xFFFFF800, v23;
	v1 =	vand.u32 $0xFFFFFC00, v33  }
0xab: {  	v33 =	vshll.u32 v62, $0x8;
	v22 =	vld.idx.msk [tilespmem:v50+s5+$0x0], $0xffff;
	v37 =	vshll.u32 v40, $0x8;
	v50 =	vadd.s32 v23, v1  }
0xac: {  	v1 =	vshll.u32 v34, $0x3;
	v23 =	vld.idx.msk [tilespmem:v51+s5+$0x0], $0xffff;
	v33 =	vand.u32 $0xFFFFF800, v33;
	v51 =	vand.u32 $0xFFFFF800, v37  }
0xad: {  	v48 =	vld.idx.msk [tilespmem:v48+s5+$0x0], $0xffff;
	v1 =	vand.u32 $0xFFFFFC00, v1;
	v37 =	vadd.s32 v51, v45;
	v51 =	vshll.u32 v40, $0x7  }
0xae: {  	v14 =	vmovc v4;
	v20 =	vshll.u32 v20, $0x7;
	v49 =	vld.idx.msk [tilespmem:v49+s5+$0x0], $0xffff;
	v4 =	vadd.s32 v33, v1;
	v33 =	vand.u32 $0x380, v51  }
0xaf: {  	v12 =	vld [tilespmem:s25+$0xFFFFFFD0];
	v51 =	vor.u32 v33, v37;
	v33 =	vand.u32 $0x380, v9;
	v9 =	vand.u32 $0x380, v20  }
0xb0: {  	v40 =	vld [tilespmem:s25+$0xFFFFFFE0];
	v20 =	vor.u32 v33, v57;
	v33 =	vshll.u32 v19, $0x7;
	v19 =	vshll.u32 v21, $0x7  }
0xb1: {  	v45 =	vld [tilespmem:s25+$0xFFFFFFF0];
	v21 =	vshll.u32 v27, $0x7;
	v1 =	vand.u32 $0x380, v33;
	v33 =	vand.u32 $0x380, v19  }
0xb2: {  	v19 =	vand.u32 $0x380, v21;
	v21 =	vor.u32 v33, v60;
	v60 =	vld [tilespmem:s25+$0x50]  }
0xb3: {  	v37 =	vld [tilespmem:s25+$0x0]  }
0xb4: {  	v0 =	vshll.u32 v0, $0x7;
	v57 =	vld [tilespmem:s25+$0x10]  }
0xb5: {  	v0 =	vand.u32 $0x380, v0;
	v8 =	vor.u32 v9, v58;
	v58 =	vld [tilespmem:s25+$0x20]  }
0xb6: {  	v55 =	vor.u32 v0, v55;
	v32 =	vshll.u32 v32, $0x7;
	v9 =	vld [tilespmem:s25+$0x30]  }
0xb7: {  	v32 =	vand.u32 $0x380, v32;
	v27 =	vshll.u32 v2, $0x7;
	v19 =	vor.u32 v19, v61;
	v61 =	vld [tilespmem:s25+$0x40];
	[tilespmem:$0x1FF70] =	vst v60  }
0xb8: {  	v0 =	vshll.u32 v52, $0x7;
	v41 =	vor.u32 v32, v41;
	v27 =	vand.u32 $0x380, v27;
	v10 =	vld [tilespmem:s25+$0x60]  }
0xb9: {  	v32 =	vand.u32 $0x380, v0;
	v2 =	vshll.u32 v54, $0x7;
	v60 =	vor.u32 v27, v63;
	v27 =	vld.idx.msk [tilespmem:v30+s5+$0x0], $0xffff  }
0xba: {  	v31 =	vshll.u32 v31, $0x7;
	v52 =	vor.u32 v32, v43;
	v43 =	vand.u32 $0x380, v2;
	v30 =	vld [tilespmem:s24+$0xFFFFFF80]  }
0xbb: {  	v31 =	vand.u32 $0x380, v31;
	v63 =	vshll.u32 v59, $0x7;
	v59 =	vor.u32 v43, v3;
	v43 =	vld [tilespmem:s24+$0xFFFFFFE0]  }
0xbc: {  	v44 =	vor.u32 v31, v44;
	v56 =	vor.u32 v1, v56;
	v1 =	vshll.u32 v53, $0x7;
	v31 =	vld [tilespmem:s24+$0xFFFFFF90]  }
0xbd: {  	v33 =	vand.u32 $0x380, v1;
	v32 =	vld [tilespmem:s24+$0xFFFFFFA0]  }
0xbe: {  	v46 =	vor.u32 v33, v46;
	v33 =	vld [tilespmem:s24+$0xFFFFFFB0]  }
0xbf: {  	v0 =	vshll.u32 v62, $0x7;
	v62 =	vld [tilespmem:s24+$0xFFFFFFC0]  }
0xc0: {  	v1 =	vand.u32 $0x380, v63;
	v63 =	vld [tilespmem:s24+$0xFFFFFFD0];
	[tilespmem:$0x1FF80] =	vst v43  }
0xc1: {  	v50 =	vor.u32 v1, v50;
	v1 =	vld [tilespmem:s24+$0xFFFFFFF0]  }
0xc2: {  	v43 =	vld [tilespmem:$0x1FFA0];
	_ =	sdelay $0x3  }
0xc3: {  	s25 =	simm.s32 $0x10080;
	[tilespmem:$0x1FF90] =	vst v1  }
0xc4: {  	[tilespmem:s25+$0x70] =	vst v43  }
0xc5: {  	[tilespmem:s25+$0xFFFFFF80] =	vst v16  }
0xc6: {  	v1 =	vld [tilespmem:$0x1FFB0];
	_ =	sdelay $0x4  }
0xc7: {  	[tilespmem:s25+$0xFFFFFF90] =	vst v1  }
0xc8: {  	v1 =	vld [tilespmem:$0x1FFC0];
	_ =	sdelay $0x4  }
0xc9: {  	[tilespmem:s25+$0xFFFFFFA0] =	vst v1  }
0xca: {  	v1 =	vld [tilespmem:$0x1FFD0];
	_ =	sdelay $0x4  }
0xcb: {  	[tilespmem:s25+$0xFFFFFFB0] =	vst v1  }
0xcc: {  	v11 =	vand.u32 $0x7F, v11;
	v13 =	vand.u32 $0x7F, v13;
	v1 =	vld [tilespmem:$0x1FFE0]  }
0xcd: {  	v6 =	vand.u32 $0x7F, v6;
	v7 =	vand.u32 $0x7F, v7;
	v2 =	vand.u32 $0x380, v0  }
0xce: {  	v0 =	vor.u32 v6, v8;
	v8 =	vand.u32 $0x7F, v14;
	v56 =	vor.u32 v7, v56;
	v7 =	vld [tilespmem:s24+$0x0]  }
0xcf: {  	v54 =	vand.u32 $0x7F, v5;
	v21 =	vor.u32 v8, v21;
	v3 =	vand.u32 $0x7F, v15;
	v8 =	vld [tilespmem:s24+$0x10]  }
0xd0: {  	s26 =	simm.s32 $0x10180;
	v19 =	vor.u32 v11, v19;
	v11 =	vand.u32 $0x7F, v17;
	v51 =	vor.u32 v3, v51;
	v43 =	vld [tilespmem:s24+$0x20]  }
0xd1: {  	v17 =	vand.u32 $0x7F, v18;
	v18 =	vor.u32 v11, v60;
	v11 =	vand.u32 $0x7F, v24;
	v24 =	vld [tilespmem:s24+$0x30];
	[tilespmem:s26+$0x70] =	vst v1  }
0xd2: {  	v54 =	vor.u32 v54, v20;
	v20 =	vor.u32 v13, v55;
	v13 =	vand.u32 $0x7F, v25;
	v1 =	vld [tilespmem:$0x1FFF0]  }
0xd3: {  	v55 =	vand.u32 $0x7F, v28;
	v53 =	vor.u32 v2, v4;
	v45 =	vadd.f32 v45, v39;
	v25 =	vld [tilespmem:s24+$0x40]  }
0xd4: {  	v14 =	vor.u32 v55, v46;
	v46 =	vadd.f32 v40, v38;
	v40 =	vadd.f32 v37, v47;
	v28 =	vld [tilespmem:s24+$0x50]  }
0xd5: {  	v39 =	vadd.f32 v57, v48;
	v15 =	vor.u32 v13, v52;
	v60 =	vadd.f32 v12, v26;
	v26 =	vld.idx.msk [tilespmem:v51+s5+$0x0], $0xffff  }
0xd6: {  	v16 =	vor.u32 v17, v41;
	v17 =	vor.u32 v11, v44;
	v11 =	vand.u32 $0x7F, v29;
	v37 =	vld.idx.msk [tilespmem:v0+s5+$0x0], $0xffff  }
0xd7: {  	v29 =	vand.u32 $0x7F, v35;
	v38 =	vld.idx.msk [tilespmem:v56+s5+$0x0], $0xffff;
	v13 =	vor.u32 v11, v59;
	v59 =	vadd.f32 v1, v36  }
0xd8: {  	v12 =	vand.u32 $0x7F, v34;
	v34 =	vadd.f32 v9, v49;
	v11 =	vor.u32 v29, v50;
	v29 =	vld [tilespmem:s24+$0x60];
	[tilespmem:s25+$0xFFFFFFD0] =	vst v60  }
0xd9: {  	s28 =	simm.s32 $0x10;
	s29 =	simm.s32 $0x12280;
	v12 =	vor.u32 v12, v53;
	v35 =	vadd.f32 v58, v42;
	v36 =	vld.idx.msk [tilespmem:v54+s5+$0x0], $0xffff;
	[tilespmem:s25+$0xFFFFFFC0] =	vst v59  }
.LBB2_4:
0xda: {  	v41 =	vld [tilespmem:s29+$0x70]  }
0xdb: {  	v0 =	vld [tilespmem:$0x1FF70]  }
0xdc: {  	v50 =	vld [tilespmem:s29+$0xFFFFFFB0]  }
0xdd: {  	s23 =	sadd.s32 $0x100, s23;
	v56 =	vld [tilespmem:s29+$0xFFFFFFC0]  }
0xde: {  	[tilespmem:s25+$0xFFFFFFE0] =	vst v46;
	v42 =	vld [tilespmem:s23+$0x70]  }
0xdf: {  	[tilespmem:s25+$0x30] =	vst v34;
	v34 =	vld [tilespmem:s23+$0xFFFFFFD0]  }
0xe0: {  	v57 =	vld [tilespmem:s29+$0xFFFFFFE0]  }
0xe1: {  	[tilespmem:s25+$0x20] =	vst v35;
	v35 =	vld [tilespmem:s23+$0xFFFFFFE0]  }
0xe2: {  	v5 =	vld.idx.msk [tilespmem:v15+s5+$0x0], $0xffff;
	v22 =	vadd.f32 v61, v22;
	v27 =	vadd.f32 v10, v27  }
0xe3: {  	[tilespmem:$0x1FF40] =	vst v8;
	v3 =	vmovc v24;
	v1 =	vmov v28;
	v24 =	vld [tilespmem:s23+$0xFFFFFF80];
	v26 =	vadd.f32 v30, v26;
	v28 =	vadd.f32 v31, v36  }
0xe4: {  	[tilespmem:s25+$0xFFFFFFF0] =	vst v45;
	v47 =	vmov v29;
	v30 =	vld [tilespmem:s29+$0xFFFFFF90];
	v29 =	vadd.f32 v32, v37;
	v23 =	vadd.f32 v0, v23  }
0xe5: {  	v2 =	vmovc v25;
	v25 =	vld [tilespmem:s23+$0xFFFFFF90];
	v48 =	vshll.u32 v41, $0x8;
	v52 =	vshll.u32 v41, $0x7;
	v44 =	vshll.u32 v56, $0x8;
	[tilespmem:s26+$0xFFFFFF80] =	vst v26  }
0xe6: {  	v31 =	vld [tilespmem:s29+$0xFFFFFFA0];
	v46 =	vshll.u32 v50, $0x7;
	[tilespmem:s26+$0xFFFFFF90] =	vst v28;
	v28 =	vadd.f32 v33, v38;
	v49 =	vshll.u32 v42, $0x3  }
0xe7: {  	v26 =	vld [tilespmem:s23+$0xFFFFFFA0];
	[tilespmem:s26+$0xFFFFFFA0] =	vst v29;
	v29 =	vand.u32 $0xFFFFF800, v48;
	v54 =	vand.u32 $0x380, v52;
	v58 =	vand.u32 $0x7F, v42  }
0xe8: {  	v4 =	vmovc v43;
	v36 =	vld [tilespmem:s23+$0xFFFFFFF0];
	[tilespmem:$0x1FF60] =	vst v3;
	v44 =	vand.u32 $0xFFFFF800, v44;
	v43 =	vshll.u32 v57, $0x7;
	v15 =	vand.u32 $0x380, v46  }
0xe9: {  	v0 =	vld [tilespmem:s29+$0xFFFFFFD0];
	v51 =	vand.u32 $0xFFFFFC00, v49;
	[tilespmem:s25+$0x50] =	vst v23;
	v23 =	vshll.u32 v50, $0x8;
	v49 =	vshll.u32 v56, $0x7  }
0xea: {  	[tilespmem:s25+$0x40] =	vst v22;
	v50 =	vld [tilespmem:s29+$0xFFFFFFF0];
	v29 =	vadd.s32 v29, v51;
	v3 =	vand.u32 $0xFFFFF800, v23;
	v53 =	vshll.u32 v24, $0x3  }
0xeb: {  	v56 =	vld [tilespmem:s29+$0x40];
	[tilespmem:s26+$0xFFFFFFB0] =	vst v28;
	v55 =	vshll.u32 v30, $0x8;
	v32 =	vor.u32 v54, v29;
	v59 =	vshll.u32 v25, $0x3  }
0xec: {  	[tilespmem:s25+$0x0] =	vst v40;
	v28 =	vld [tilespmem:s23+$0xFFFFFFB0];
	v60 =	vshll.u32 v31, $0x8;
	v23 =	vshll.u32 v30, $0x7;
	v32 =	vor.u32 v58, v32  }
0xed: {  	[tilespmem:$0x1FF70] =	vst v1;
	v54 =	vld [tilespmem:s29+$0x0];
	v22 =	vand.u32 $0xFFFFFC00, v53;
	v33 =	vand.u32 $0xFFFFF800, v55;
	v1 =	vand.u32 $0xFFFFFC00, v59  }
0xee: {  	[tilespmem:s25+$0x10] =	vst v39;
	v29 =	vld [tilespmem:s23+$0xFFFFFFC0];
	v39 =	vand.u32 $0xFFFFF800, v60;
	v52 =	vshll.u32 v0, $0x7;
	v60 =	vshll.u32 v35, $0x3  }
0xef: {  	[tilespmem:$0x1FF50] =	vst v4;
	v4 =	vld.idx.msk [tilespmem:v17+s5+$0x0], $0xffff;
	v17 =	vand.u32 $0x380, v23;
	v61 =	vshll.u32 v26, $0x3;
	v46 =	vand.u32 $0x380, v52  }
0xf0: {  	v37 =	vld [tilespmem:s23+$0x0];
	[tilespmem:$0x1FF20] =	vst v2;
	v2 =	vand.u32 $0xFFFFFC00, v61;
	v61 =	vand.u32 $0xFFFFFC00, v60;
	v45 =	vshll.u32 v50, $0x7  }
0xf1: {  	v8 =	vmovc v7;
	v7 =	vmovc v63;
	[tilespmem:s25+$0x60] =	vst v27;
	v38 =	vld [tilespmem:s23+$0x10];
	v63 =	vshll.u32 v56, $0x8;
	v56 =	vshll.u32 v56, $0x7;
	v27 =	vshll.u32 v28, $0x3  }
0xf2: {  	v23 =	vld.idx.msk [tilespmem:v11+s5+$0x0], $0xffff;
	v11 =	vand.u32 $0x380, v56;
	v60 =	vshll.u32 v54, $0x8;
	v30 =	vand.u32 $0xFFFFFC00, v27  }
0xf3: {  	s24 =	sadd.s32 $0x100, s24;
	v27 =	vshll.u32 v31, $0x7;
	v31 =	vshll.u32 v29, $0x3;
	v58 =	vld.idx.msk [tilespmem:v32+s5+$0x0], $0xffff;
	v32 =	vadd.s32 v39, v2  }
0xf4: {  	[tilespmem:$0x1FF30] =	vst v47;
	v48 =	vld [tilespmem:s24+$0x70];
	v2 =	vshll.u32 v36, $0x3;
	v47 =	vand.u32 $0xFFFFFC00, v31;
	v31 =	vshll.u32 v0, $0x8  }
0xf5: {  	v41 =	vadd.s32 v3, v30;
	v30 =	vld [tilespmem:s29+$0x10];
	v59 =	vand.u32 $0xFFFFF800, v31;
	v31 =	vshll.u32 v34, $0x3  }
0xf6: {  	v3 =	vld [tilespmem:s29+$0x20];
	v42 =	vadd.s32 v44, v47;
	v51 =	vand.u32 $0xFFFFFC00, v31;
	v31 =	vshll.u32 v57, $0x8  }
0xf7: {  	v39 =	vld [tilespmem:s23+$0x20];
	v47 =	vand.u32 $0xFFFFFC00, v2;
	v2 =	vshll.u32 v38, $0x3;
	v53 =	vand.u32 $0xFFFFF800, v31  }
0xf8: {  	v31 =	vadd.s32 v33, v1;
	v44 =	vadd.s32 v59, v51;
	v1 =	vshll.u32 v50, $0x8;
	v59 =	vld [tilespmem:s29+$0x50]  }
0xf9: {  	v51 =	vshll.u32 v54, $0x7;
	v33 =	vadd.s32 v53, v61;
	v40 =	vand.u32 $0xFFFFF800, v1;
	v53 =	vld [tilespmem:s29+$0x30]  }
0xfa: {  	v50 =	vand.u32 $0xFFFFF800, v60;
	v0 =	vadd.f32 v48, v58;
	v47 =	vadd.s32 v40, v47;
	v40 =	vld [tilespmem:s23+$0x30]  }
0xfb: {  	s25 =	smov.u32 s26;
	s26 =	sadd.s32 $0x100, s26;
	v61 =	vshll.u32 v37, $0x3;
	v58 =	vld [tilespmem:s23+$0x40];
	v55 =	vshll.u32 v30, $0x8;
	v57 =	vshll.u32 v3, $0x8  }
0xfc: {  	v48 =	vshll.u32 v3, $0x7;
	[tilespmem:s26+$0x70] =	vst v0;
	v0 =	vand.u32 $0xFFFFFC00, v61;
	v1 =	vand.u32 $0xFFFFF800, v55;
	v61 =	vld [tilespmem:s23+$0x50]  }
0xfd: {  	v6 =	vmovc v62;
	v62 =	vld [tilespmem:s29+$0x60];
	v55 =	vand.u32 $0xFFFFFC00, v2;
	v50 =	vadd.s32 v50, v0;
	v0 =	vshll.u32 v39, $0x3  }
0xfe: {  	v9 =	vld [tilespmem:s29+$0xFFFFFF80];
	v3 =	vand.u32 $0xFFFFF800, v57;
	v54 =	vadd.s32 v1, v55;
	v57 =	vand.u32 $0xFFFFFC00, v0  }
0xff: {  	v0 =	vld [tilespmem:s23+$0x60];
	v10 =	vshll.u32 v59, $0x8;
	v60 =	vshll.u32 v53, $0x8;
	v1 =	vshll.u32 v40, $0x3  }
0x100: {  	v55 =	vadd.s32 v3, v57;
	v57 =	vand.u32 $0xFFFFF800, v60;
	v60 =	vand.u32 $0xFFFFFC00, v1;
	v1 =	vld.idx.msk [tilespmem:v21+s5+$0x0], $0xffff  }
0x101: {  	v2 =	vshll.u32 v58, $0x3;
	v3 =	vshll.u32 v61, $0x3;
	v52 =	vand.u32 $0x7F, v61;
	v61 =	vld [tilespmem:$0x1FF20]  }
0x102: {  	v57 =	vadd.s32 v57, v60;
	v60 =	vand.u32 $0xFFFFF800, v63;
	v63 =	vand.u32 $0xFFFFFC00, v2;
	v2 =	vld.idx.msk [tilespmem:v20+s5+$0x0], $0xffff  }
0x103: {  	v10 =	vand.u32 $0xFFFFF800, v10;
	v21 =	vadd.s32 v60, v63;
	v63 =	vld.idx.msk [tilespmem:v19+s5+$0x0], $0xffff;
	v19 =	vand.u32 $0xFFFFFC00, v3  }
0x104: {  	v60 =	vshll.u32 v62, $0x8;
	v20 =	vshll.u32 v0, $0x3;
	v3 =	vld.idx.msk [tilespmem:v16+s5+$0x0], $0xffff;
	v10 =	vadd.s32 v10, v19  }
0x105: {  	v19 =	vand.u32 $0xFFFFF800, v60;
	v60 =	vld.idx.msk [tilespmem:v18+s5+$0x0], $0xffff;
	v18 =	vshll.u32 v9, $0x8;
	v20 =	vand.u32 $0xFFFFFC00, v20  }
0x106: {  	v11 =	vor.u32 v11, v21;
	v21 =	vand.u32 $0x7F, v26;
	v26 =	vand.u32 $0x7F, v34;
	v34 =	vld [tilespmem:s24+$0xFFFFFFE0]  }
0x107: {  	v16 =	vand.u32 $0xFFFFF800, v18;
	v18 =	vadd.s32 v19, v20;
	v20 =	vand.u32 $0x380, v49;
	v49 =	vld.idx.msk [tilespmem:v14+s5+$0x0], $0xffff  }
0x108: {  	v15 =	vor.u32 v15, v41;
	v30 =	vshll.u32 v30, $0x7;
	v19 =	vand.u32 $0x380, v27;
	v27 =	vld.idx.msk [tilespmem:v12+s5+$0x0], $0xffff  }
0x109: {  	v53 =	vshll.u32 v53, $0x7;
	v62 =	vshll.u32 v62, $0x7;
	v12 =	vor.u32 v17, v31;
	v31 =	vld [tilespmem:s24+$0xFFFFFF90]  }
0x10a: {  	v56 =	vand.u32 $0x380, v62;
	v14 =	vand.u32 $0x380, v43;
	v16 =	vadd.s32 v16, v22;
	v22 =	vld.idx.msk [tilespmem:v13+s5+$0x0], $0xffff  }
0x10b: {  	v43 =	vand.u32 $0x380, v45;
	v45 =	vand.u32 $0x380, v51;
	v13 =	vand.u32 $0x380, v30;
	v30 =	vld [tilespmem:s24+$0xFFFFFF80]  }
0x10c: {  	v14 =	vor.u32 v14, v33;
	v41 =	vor.u32 v43, v47;
	v33 =	vld [tilespmem:s24+$0xFFFFFFB0];
	v47 =	vor.u32 v56, v18  }
0x10d: {  	v18 =	vand.u32 $0x7F, v24;
	v24 =	vand.u32 $0x7F, v28;
	v28 =	vand.u32 $0x7F, v35;
	v35 =	vld [tilespmem:s24+$0xFFFFFFF0]  }
0x10e: {  	v51 =	vand.u32 $0x380, v53;
	v17 =	vor.u32 v20, v42;
	v42 =	vor.u32 v45, v50;
	v50 =	vld [tilespmem:s24+$0x0]  }
0x10f: {  	v59 =	vshll.u32 v59, $0x7;
	v45 =	vor.u32 v51, v57;
	v51 =	vld [tilespmem:s24+$0x10]  }
0x110: {  	v48 =	vand.u32 $0x380, v48;
	v59 =	vand.u32 $0x380, v59;
	v9 =	vshll.u32 v9, $0x7;
	v43 =	vld [tilespmem:s24+$0x20]  }
0x111: {  	v9 =	vand.u32 $0x380, v9;
	v10 =	vor.u32 v59, v10;
	v20 =	vand.u32 $0x7F, v25;
	v56 =	vld [tilespmem:$0x1FF90]  }
0x112: {  	v25 =	vand.u32 $0x7F, v29;
	v9 =	vor.u32 v9, v16;
	v16 =	vor.u32 v19, v32;
	v32 =	vld [tilespmem:s24+$0xFFFFFFA0]  }
0x113: {  	v29 =	vand.u32 $0x7F, v36;
	v36 =	vand.u32 $0x7F, v37;
	v19 =	vor.u32 v46, v44;
	v46 =	vld [tilespmem:s24+$0xFFFFFFC0]  }
0x114: {  	v37 =	vand.u32 $0x7F, v38;
	v44 =	vor.u32 v48, v55;
	v48 =	vld [tilespmem:s24+$0xFFFFFFD0];
	v59 =	vor.u32 v24, v15  }
0x115: {  	v38 =	vand.u32 $0x7F, v39;
	v39 =	vand.u32 $0x7F, v40;
	v40 =	vand.u32 $0x7F, v58;
	v24 =	vld [tilespmem:s24+$0x30]  }
0x116: {  	v57 =	vor.u32 v20, v12;
	v20 =	vor.u32 v28, v14;
	v28 =	vld [tilespmem:s24+$0x50];
	v58 =	vor.u32 v21, v16  }
0x117: {  	v16 =	vor.u32 v36, v42;
	v42 =	vadd.f32 v6, v1;
	v6 =	vld [tilespmem:$0x1FF80]  }
0x118: {  	v14 =	vor.u32 v39, v45;
	v45 =	vadd.f32 v56, v60;
	v60 =	vld [tilespmem:$0x1FF60]  }
0x119: {  	v15 =	vor.u32 v38, v44;
	v38 =	vld.idx.msk [tilespmem:v59+s5+$0x0], $0xffff  }
0x11a: {  	v13 =	vor.u32 v13, v54;
	v59 =	vld [tilespmem:$0x1FF50]  }
0x11b: {  	s28 =	sadd.s32 $0x10, s28;
	v21 =	vor.u32 v25, v17;
	v17 =	vor.u32 v37, v13;
	v37 =	vld.idx.msk [tilespmem:v58+s5+$0x0], $0xffff  }
0x11c: {  	p0 =	slt.u32 s28, $0x1F0;
	v0 =	vand.u32 $0x7F, v0;
	v9 =	vor.u32 v18, v9;
	v58 =	vld [tilespmem:$0x1FF40]  }
.Ltmp1:
0x11d: {  	v25 =	vld [tilespmem:s24+$0x40];
	v13 =	vor.u32 v40, v11;
	v11 =	vor.u32 v52, v10;
	v52 =	vadd.f32 v7, v63;
	(pc) =	sbr.rel @p0 .LBB2_4-.Ltmp1, $4  }
0x11e: {  	v12 =	vor.u32 v0, v47;
	v19 =	vor.u32 v26, v19;
	v18 =	vor.u32 v29, v41;
	v10 =	vld [tilespmem:$0x1FF30];
	[tilespmem:s25+$0xFFFFFFC0] =	vst v42  }
0x11f: {  	v40 =	vadd.f32 v8, v3;
	[tilespmem:s25+$0xFFFFFFD0] =	vst v52;
	v7 =	vmovc v50;
	v8 =	vmov v51;
	v36 =	vld.idx.msk [tilespmem:v57+s5+$0x0], $0xffff;
	v57 =	vmov v35  }
0x120: {  	v29 =	vld [tilespmem:s24+$0x60];
	v62 =	vmovc v46;
	v46 =	vadd.f32 v6, v2;
	v6 =	vmov v34;
	[tilespmem:$0x1FF90] =	vst v57;
	v34 =	vadd.f32 v60, v49  }
0x121: {  	s29 =	sadd.s32 $0x100, s29;
	v63 =	vmov v48;
	v26 =	vld.idx.msk [tilespmem:v9+s5+$0x0], $0xffff;
	[tilespmem:$0x1FF80] =	vst v6;
	v35 =	vadd.f32 v59, v5;
	v39 =	vadd.f32 v58, v4  }
0x122: {  	[tilespmem:s25+$0xFFFFFFE0] =	vst v46  }
0x123: {  	[tilespmem:s25+$0xFFFFFFF0] =	vst v45  }
0x124: {  	[tilespmem:s25+$0x0] =	vst v40  }
0x125: {  	v45 =	vadd.f32 v32, v37;
	[tilespmem:s25+$0x10] =	vst v39  }
0x126: {  	v46 =	vadd.f32 v33, v38;
	[tilespmem:s25+$0x20] =	vst v35  }
0x127: {  	v1 =	vadd.f32 v31, v36;
	[tilespmem:s26+$0xFFFFFFA0] =	vst v45  }
0x128: {  	[tilespmem:s26+$0xFFFFFFB0] =	vst v46;
	v0 =	vadd.f32 v30, v26  }
0x129: {  	[tilespmem:s26+$0xFFFFFF90] =	vst v1  }
0x12a: {  	[tilespmem:s26+$0xFFFFFF80] =	vst v0  }
0x12b: {  	v4 =	vld [tilespmem:$0x1FF70];
	_ =	sdelay $0x2  }
0x12c: {  	v47 =	vld.idx.msk [tilespmem:v21+s5+$0x0], $0xffff;
	v2 =	vadd.f32 v61, v22  }
0x12d: {  	v48 =	vld.idx.msk [tilespmem:v19+s5+$0x0], $0xffff;
	v9 =	vadd.f32 v10, v27;
	[tilespmem:s25+$0x30] =	vst v34  }
0x12e: {  	v3 =	vld.idx.msk [tilespmem:v20+s5+$0x0], $0xffff;
	[tilespmem:s25+$0x40] =	vst v2;
	v4 =	vadd.f32 v4, v23  }
0x12f: {  	v49 =	vld.idx.msk [tilespmem:v16+s5+$0x0], $0xffff;
	[tilespmem:s25+$0x60] =	vst v9  }
0x130: {  	v10 =	vld.idx.msk [tilespmem:v14+s5+$0x0], $0xffff;
	[tilespmem:s25+$0x50] =	vst v4  }
0x131: {  	v6 =	vld [tilespmem:$0x1FF80]  }
0x132: {  	v50 =	vld.idx.msk [tilespmem:v13+s5+$0x0], $0xffff  }
0x133: {  	v52 =	vld.idx.msk [tilespmem:v12+s5+$0x0], $0xffff;
	v0 =	vadd.f32 v62, v47  }
0x134: {  	v1 =	vadd.f32 v63, v48;
	v4 =	vld.idx.msk [tilespmem:v17+s5+$0x0], $0xffff  }
0x135: {  	v5 =	vld.idx.msk [tilespmem:v18+s5+$0x0], $0xffff;
	v2 =	vadd.f32 v7, v49;
	[tilespmem:s26+$0xFFFFFFC0] =	vst v0  }
0x136: {  	v53 =	vadd.f32 v24, v10;
	v3 =	vadd.f32 v6, v3;
	v6 =	vld [tilespmem:$0x1FF90];
	[tilespmem:s26+$0xFFFFFFD0] =	vst v1  }
0x137: {  	v51 =	vld.idx.msk [tilespmem:v11+s5+$0x0], $0xffff;
	v0 =	vadd.f32 v25, v50;
	[tilespmem:s26+$0x0] =	vst v2  }
0x138: {  	v54 =	vadd.f32 v29, v52;
	v9 =	vld.idx.msk [tilespmem:v15+s5+$0x0], $0xffff;
	[tilespmem:s26+$0x30] =	vst v53  }
0x139: {  	v4 =	vadd.f32 v8, v4;
	[tilespmem:s26+$0x40] =	vst v0  }
0x13a: {  	[tilespmem:s26+$0x60] =	vst v54  }
0x13b: {  	[tilespmem:s26+$0x10] =	vst v4;
	v5 =	vadd.f32 v6, v5  }
0x13c: {  	v1 =	vadd.f32 v28, v51;
	[tilespmem:s26+$0xFFFFFFE0] =	vst v3  }
0x13d: {  	[tilespmem:s26+$0xFFFFFFF0] =	vst v5;
	v5 =	vadd.f32 v43, v9  }
0x13e: {  	[tilespmem:s26+$0x50] =	vst v1  }
0x13f: {  	[tilespmem:s26+$0x20] =	vst v5  }
0x140: {  	[tilespmem:s5], [sflag:$0x1] =	stream.linear.gather [hbm4b:s8+s5], $0x10000, $0x38;
	[tilespmem:$0x1A080] =	vst v63  }
0x141: {  	_ = 	snop  }
0x142: {  	[hbm4b:s9+s18] =	stream.strided.scatter [tilespmem:s20], [sflag:$0x3], $0x2000, s19, s18, $0x38;
	[tilespmem:$0x1A080] =	vst v63  }
0x143: {  	_ =	swait.ge [sflag:s21], $0x2000  }
0x144: {  	[sflag:s21] =	ssyncset.done $0x0  }
0x145: {  	[sflag:s21] =	ssyncadd.s32 $0xFFFFE000  }
0x146: {  	_ =	swait.ge [sflag:s17], $0x10000  }
0x147: {  	[sflag:s17] =	ssyncset.done $0x0  }
0x148: {  	s24 =	simm.s32 $0x12080;
	[sflag:s17] =	ssyncadd.s32 $0xFFFF0000  }
0x149: {  	s23 =	simm.s32 $0x14080;
	v55 =	vld [tilespmem:s24+$0x70]  }
0x14a: {  	v56 =	vld [tilespmem:s23+$0x70]  }
0x14b: {  	v57 =	vld [tilespmem:s23+$0xFFFFFF80]  }
0x14c: {  	v58 =	vld [tilespmem:s24+$0xFFFFFF90]  }
0x14d: {  	v4 =	vld [tilespmem:s23+$0xFFFFFF90]  }
0x14e: {  	v5 =	vld [tilespmem:s24+$0xFFFFFFA0]  }
0x14f: {  	v9 =	vld [tilespmem:s24+$0xFFFFFFB0]  }
0x150: {  	v14 =	vld [tilespmem:s24+$0xFFFFFFD0]  }
0x151: {  	v19 =	vld [tilespmem:s24+$0xFFFFFFE0];
	v7 =	vshll.u32 v55, $0x8;
	v8 =	vshll.u32 v56, $0x3;
	v0 =	vshll.u32 v55, $0x7  }
0x152: {  	v2 =	vld [tilespmem:s23+$0xFFFFFFE0];
	v1 =	vand.u32 $0x7F, v56;
	v7 =	vand.u32 $0xFFFFF800, v7;
	v8 =	vand.u32 $0xFFFFFC00, v8  }
0x153: {  	v11 =	vshll.u32 v57, $0x3;
	v0 =	vand.u32 $0x380, v0;
	v7 =	vadd.s32 v7, v8  }
0x154: {  	v12 =	vshll.u32 v58, $0x8;
	v59 =	vshll.u32 v4, $0x3;
	v7 =	vor.u32 v0, v7  }
0x155: {  	v6 =	vld [tilespmem:s23+$0xFFFFFFA0];
	v13 =	vshll.u32 v5, $0x8;
	v17 =	vshll.u32 v9, $0x8;
	v7 =	vor.u32 v1, v7  }
0x156: {  	s30 =	simm.s32 $0x18080;
	v10 =	vld [tilespmem:s23+$0xFFFFFFB0];
	v20 =	vshll.u32 v58, $0x7;
	v5 =	vshll.u32 v5, $0x7;
	v23 =	vshll.u32 v9, $0x7  }
0x157: {  	v9 =	vld [tilespmem:s30+$0x70];
	v28 =	vshll.u32 v19, $0x8;
	v29 =	vshll.u32 v14, $0x7;
	v30 =	vshll.u32 v2, $0x3  }
0x158: {  	v19 =	vshll.u32 v19, $0x7;
	v3 =	vand.u32 $0x7F, v57;
	v4 =	vand.u32 $0x7F, v4;
	v8 =	vld [tilespmem:s24+$0xFFFFFFC0]  }
0x159: {  	v2 =	vand.u32 $0x7F, v2;
	v15 =	vand.u32 $0xFFFFFC00, v11;
	v12 =	vand.u32 $0xFFFFF800, v12;
	v0 =	vld [tilespmem:s23+$0xFFFFFFC0]  }
0x15a: {  	v11 =	vshll.u32 v6, $0x3;
	v16 =	vand.u32 $0xFFFFFC00, v59;
	v13 =	vand.u32 $0xFFFFF800, v13;
	v7 =	vld.idx.msk [tilespmem:v7+s5+$0x0], $0xffff  }
0x15b: {  	v17 =	vand.u32 $0xFFFFF800, v17;
	v30 =	vand.u32 $0xFFFFFC00, v30;
	v20 =	vand.u32 $0x380, v20  }
0x15c: {  	v5 =	vand.u32 $0x380, v5;
	v18 =	vand.u32 $0xFFFFFC00, v11;
	v11 =	vshll.u32 v10, $0x3;
	v1 =	vld [tilespmem:s23+$0xFFFFFFD0]  }
0x15d: {  	v25 =	vld [tilespmem:s24+$0xFFFFFFF0];
	v23 =	vand.u32 $0x380, v23;
	v6 =	vand.u32 $0x7F, v6;
	v21 =	vand.u32 $0xFFFFFC00, v11  }
0x15e: {  	v16 =	vadd.s32 v12, v16;
	v12 =	vld [tilespmem:s23+$0x0];
	v17 =	vadd.s32 v17, v21;
	v11 =	vshll.u32 v8, $0x8  }
0x15f: {  	v21 =	vld [tilespmem:s24+$0x10];
	v22 =	vand.u32 $0xFFFFF800, v11;
	v11 =	vshll.u32 v0, $0x3;
	v7 =	vadd.f32 v9, v7  }
0x160: {  	v24 =	vand.u32 $0xFFFFFC00, v11;
	v11 =	vshll.u32 v14, $0x8;
	v14 =	vand.u32 $0xFFFFF800, v28;
	v28 =	vld [tilespmem:s24+$0x0]  }
0x161: {  	v10 =	vand.u32 $0x7F, v10;
	v27 =	vshll.u32 v1, $0x3;
	v26 =	vand.u32 $0xFFFFF800, v11;
	v11 =	vld [tilespmem:s23+$0xFFFFFFF0];
	[tilespmem:$0x1FEC0] =	vst v7  }
0x162: {  	v18 =	vadd.s32 v13, v18;
	v16 =	vor.u32 v20, v16;
	v27 =	vand.u32 $0xFFFFFC00, v27;
	v13 =	vld [tilespmem:s23+$0x10]  }
0x163: {  	v5 =	vor.u32 v5, v18;
	v4 =	vor.u32 v4, v16;
	v7 =	vadd.s32 v26, v27;
	v27 =	vld [tilespmem:s24+$0x20]  }
0x164: {  	v16 =	vor.u32 v23, v17;
	v5 =	vor.u32 v6, v5;
	v30 =	vadd.s32 v14, v30;
	v14 =	vld [tilespmem:s23+$0x20]  }
0x165: {  	v16 =	vor.u32 v10, v16;
	v8 =	vshll.u32 v8, $0x7;
	v60 =	vshll.u32 v12, $0x3;
	v63 =	vld [tilespmem:s24+$0xFFFFFF80]  }
0x166: {  	v12 =	vand.u32 $0x7F, v12;
	v32 =	vand.u32 $0xFFFFFC00, v60;
	v61 =	vshll.u32 v21, $0x8;
	v36 =	vld [tilespmem:s23+$0x30]  }
0x167: {  	v21 =	vshll.u32 v21, $0x7;
	v1 =	vand.u32 $0x7F, v1;
	v22 =	vadd.s32 v22, v24;
	v46 =	vld [tilespmem:s24+$0x40]  }
0x168: {  	v24 =	vshll.u32 v25, $0x8;
	v25 =	vshll.u32 v25, $0x7;
	v26 =	vshll.u32 v11, $0x3;
	v37 =	vld [tilespmem:s23+$0x40]  }
0x169: {  	v24 =	vand.u32 $0xFFFFF800, v24;
	v31 =	vshll.u32 v28, $0x8;
	v26 =	vand.u32 $0xFFFFFC00, v26;
	v50 =	vld [tilespmem:s24+$0x50]  }
0x16a: {  	v42 =	vand.u32 $0xFFFFF800, v61;
	v41 =	vld [tilespmem:s23+$0x50];
	v24 =	vadd.s32 v24, v26;
	v26 =	vand.u32 $0xFFFFF800, v31  }
0x16b: {  	v21 =	vand.u32 $0x380, v21;
	v28 =	vshll.u32 v28, $0x7;
	v52 =	vld [tilespmem:s24+$0x60];
	v26 =	vadd.s32 v26, v32  }
0x16c: {  	v9 =	vld [tilespmem:s30+$0xFFFFFFC0];
	v62 =	vshll.u32 v13, $0x3;
	v44 =	vshll.u32 v27, $0x8;
	v27 =	vshll.u32 v27, $0x7  }
0x16d: {  	v31 =	vld [tilespmem:s24+$0x30];
	v45 =	vshll.u32 v14, $0x3;
	v51 =	vshll.u32 v63, $0x8;
	v35 =	vshll.u32 v63, $0x7  }
0x16e: {  	v53 =	vld [tilespmem:s23+$0x60];
	v17 =	vshll.u32 v46, $0x8;
	v20 =	vshll.u32 v46, $0x7;
	v59 =	vshll.u32 v50, $0x8  }
0x16f: {  	v18 =	vld [tilespmem:s30+$0xFFFFFFA0];
	v34 =	vshll.u32 v50, $0x7;
	v14 =	vand.u32 $0x7F, v14;
	v40 =	vand.u32 $0xFFFFF800, v51  }
0x170: {  	v23 =	vld [tilespmem:s30+$0xFFFFFFB0];
	v43 =	vand.u32 $0xFFFFFC00, v62;
	v35 =	vand.u32 $0x380, v35;
	v15 =	vadd.s32 v40, v15  }
0x171: {  	v47 =	vand.u32 $0xFFFFF800, v44;
	v48 =	vand.u32 $0xFFFFFC00, v45;
	v15 =	vor.u32 v35, v15;
	v35 =	vld [tilespmem:s30+$0xFFFFFF80]  }
0x172: {  	v49 =	vshll.u32 v31, $0x8;
	v31 =	vshll.u32 v31, $0x7;
	v3 =	vor.u32 v3, v15;
	v15 =	vld [tilespmem:s30+$0xFFFFFF90];
	[tilespmem:$0x1FF10] =	vst v9  }
0x173: {  	v17 =	vand.u32 $0xFFFFF800, v17;
	v61 =	vand.u32 $0xFFFFF800, v59;
	v44 =	vshll.u32 v53, $0x3;
	v62 =	vld.idx.msk [tilespmem:v4+s5+$0x0], $0xffff  }
0x174: {  	v27 =	vand.u32 $0x380, v27;
	v32 =	vadd.s32 v42, v43;
	v42 =	vshll.u32 v36, $0x3;
	v63 =	vld.idx.msk [tilespmem:v5+s5+$0x0], $0xffff  }
0x175: {  	s31 =	simm.s32 $0x12180;
	v59 =	vand.u32 $0x7F, v13;
	v39 =	vand.u32 $0xFFFFF800, v49;
	v6 =	vand.u32 $0xFFFFFC00, v42;
	v54 =	vld.idx.msk [tilespmem:v16+s5+$0x0], $0xffff  }
0x176: {  	s23 =	simm.s32 $0x14180;
	v33 =	vadd.s32 v47, v48;
	v58 =	vadd.s32 v39, v6;
	v6 =	vshll.u32 v37, $0x3;
	v47 =	vld [tilespmem:s31+$0x70]  }
0x177: {  	v32 =	vor.u32 v21, v32;
	v33 =	vor.u32 v27, v33;
	v6 =	vand.u32 $0xFFFFFC00, v6;
	v57 =	vld [tilespmem:s23+$0xFFFFFF80]  }
0x178: {  	v4 =	vshll.u32 v41, $0x3;
	v16 =	vshll.u32 v52, $0x7;
	v9 =	vld [tilespmem:s31+$0xFFFFFF90];
	v17 =	vadd.s32 v17, v6  }
0x179: {  	v21 =	vld [tilespmem:s31+$0xFFFFFFC0];
	v6 =	vshll.u32 v52, $0x8;
	v4 =	vand.u32 $0xFFFFFC00, v4;
	v16 =	vand.u32 $0x380, v16  }
0x17a: {  	v13 =	vld [tilespmem:s23+$0xFFFFFFE0];
	v5 =	vand.u32 $0xFFFFF800, v6;
	v6 =	vand.u32 $0xFFFFFC00, v44;
	v55 =	vadd.s32 v61, v4  }
0x17b: {  	v56 =	vadd.s32 v5, v6;
	v5 =	vand.u32 $0x380, v8;
	v6 =	vand.u32 $0x380, v29;
	v29 =	vld [tilespmem:s23+$0x70]  }
0x17c: {  	v4 =	vld [tilespmem:s23+$0xFFFFFFC0];
	v8 =	vand.u32 $0x380, v19;
	v19 =	vand.u32 $0x380, v25;
	v25 =	vand.u32 $0x380, v28  }
0x17d: {  	v28 =	vand.u32 $0x380, v31;
	v31 =	vand.u32 $0x380, v20;
	v20 =	vld [tilespmem:s31+$0xFFFFFFA0];
	v22 =	vor.u32 v5, v22  }
0x17e: {  	v60 =	vld.idx.msk [tilespmem:v3+s5+$0x0], $0xffff;
	v48 =	vor.u32 v6, v7;
	v30 =	vor.u32 v8, v30;
	v24 =	vor.u32 v19, v24  }
0x17f: {  	v5 =	vld [tilespmem:s23+$0xFFFFFF90];
	v25 =	vor.u32 v25, v26;
	v28 =	vor.u32 v28, v58;
	v17 =	vor.u32 v31, v17  }
0x180: {  	v6 =	vld [tilespmem:s23+$0xFFFFFFA0];
	v31 =	vor.u32 v16, v56;
	v7 =	vshll.u32 v47, $0x8;
	v8 =	vshll.u32 v29, $0x3  }
0x181: {  	v19 =	vld [tilespmem:s31+$0xFFFFFFB0];
	v47 =	vshll.u32 v47, $0x7;
	v26 =	vand.u32 $0xFFFFF800, v7;
	v8 =	vand.u32 $0xFFFFFC00, v8  }
0x182: {  	v58 =	vand.u32 $0x7F, v11;
	v11 =	vld [tilespmem:s23+$0xFFFFFFD0];
	v8 =	vadd.s32 v26, v8;
	v26 =	vand.u32 $0x380, v47  }
0x183: {  	v16 =	vand.u32 $0x7F, v0;
	v0 =	vld [tilespmem:s31+$0xFFFFFFE0];
	v27 =	vand.u32 $0x7F, v29;
	v26 =	vor.u32 v26, v8  }
0x184: {  	v37 =	vand.u32 $0x7F, v37;
	v43 =	vor.u32 v2, v30;
	v2 =	vld [tilespmem:s31+$0xFFFFFFF0];
	v26 =	vor.u32 v27, v26  }
0x185: {  	v34 =	vand.u32 $0x380, v34;
	v36 =	vand.u32 $0x7F, v36;
	v50 =	vor.u32 v37, v17;
	v17 =	vld [tilespmem:s23+$0xFFFFFFF0]  }
0x186: {  	s24 =	simm.s32 $0x18180;
	v40 =	vand.u32 $0x7F, v53;
	v33 =	vor.u32 v14, v33;
	v22 =	vor.u32 v16, v22;
	v7 =	vld [tilespmem:s23+$0xFFFFFFB0]  }
0x187: {  	v1 =	vor.u32 v1, v48;
	v29 =	vor.u32 v34, v55;
	v34 =	vld [tilespmem:s24+$0x70];
	v8 =	vadd.f32 v15, v62  }
0x188: {  	v46 =	vor.u32 v58, v24;
	v48 =	vor.u32 v59, v32;
	v49 =	vor.u32 v36, v28;
	v27 =	vld [tilespmem:s31+$0xFFFFFFD0]  }
0x189: {  	v41 =	vand.u32 $0x7F, v41;
	v30 =	vor.u32 v40, v31;
	v26 =	vld.idx.msk [tilespmem:v26+s5+$0x0], $0xffff;
	[tilespmem:$0x1FED0] =	vst v8;
	v8 =	vadd.f32 v18, v63  }
0x18a: {  	v24 =	vshll.u32 v9, $0x8;
	v56 =	vshll.u32 v13, $0x3;
	v28 =	vshll.u32 v20, $0x8  }
0x18b: {  	v51 =	vor.u32 v41, v29;
	v16 =	vadd.f32 v35, v60;
	[tilespmem:$0x1FEE0] =	vst v8;
	v8 =	vadd.f32 v23, v54  }
0x18c: {  	v29 =	vshll.u32 v6, $0x3;
	v36 =	vand.u32 $0xFFFFF800, v28;
	v3 =	vshll.u32 v11, $0x3  }
0x18d: {  	v47 =	vor.u32 v12, v25;
	v25 =	vshll.u32 v5, $0x3;
	v37 =	vand.u32 $0xFFFFFC00, v29;
	v32 =	vld [tilespmem:s31+$0x0];
	[tilespmem:$0x1FEF0] =	vst v8  }
0x18e: {  	v29 =	vshll.u32 v21, $0x8;
	v42 =	vand.u32 $0xFFFFFC00, v3;
	v41 =	vshll.u32 v2, $0x8;
	v18 =	vld [tilespmem:s23+$0x0]  }
0x18f: {  	v35 =	vand.u32 $0xFFFFFC00, v25;
	v25 =	vshll.u32 v19, $0x8;
	v23 =	vshll.u32 v57, $0x3;
	v31 =	vld [tilespmem:s31+$0x10]  }
0x190: {  	v28 =	vshll.u32 v7, $0x3;
	v45 =	vand.u32 $0xFFFFFC00, v23;
	v23 =	vand.u32 $0xFFFFF800, v24;
	v24 =	vld [tilespmem:s23+$0x10]  }
0x191: {  	v62 =	vand.u32 $0xFFFFF800, v29;
	v58 =	vadd.s32 v36, v37;
	v60 =	vand.u32 $0xFFFFF800, v25;
	v52 =	vld [tilespmem:s31+$0x20]  }
0x192: {  	v61 =	vand.u32 $0xFFFFFC00, v28;
	v28 =	vshll.u32 v4, $0x3;
	v29 =	vshll.u32 v27, $0x8;
	v25 =	vld [tilespmem:s23+$0x20]  }
0x193: {  	v63 =	vand.u32 $0xFFFFFC00, v28;
	v44 =	vand.u32 $0xFFFFF800, v29;
	v29 =	vshll.u32 v0, $0x8;
	v53 =	vld [tilespmem:s31+$0x30]  }
0x194: {  	v15 =	vmovc v57;
	v55 =	vand.u32 $0xFFFFF800, v29;
	v57 =	vadd.s32 v23, v35;
	v23 =	vand.u32 $0xFFFFFC00, v56;
	v28 =	vld [tilespmem:s23+$0x30]  }
0x195: {  	v56 =	vadd.s32 v60, v61;
	v60 =	vadd.s32 v62, v63;
	v54 =	vld [tilespmem:s31+$0x40];
	v40 =	vadd.f32 v34, v26  }
0x196: {  	v61 =	vadd.s32 v44, v42;
	v29 =	vld [tilespmem:s23+$0x40];
	v55 =	vadd.s32 v55, v23;
	v23 =	vshll.u32 v17, $0x3  }
0x197: {  	v42 =	vand.u32 $0xFFFFF800, v41;
	v59 =	vld [tilespmem:s31+$0x50];
	v23 =	vand.u32 $0xFFFFFC00, v23;
	[tilespmem:$0x1FF00] =	vst v40;
	v44 =	vshll.u32 v32, $0x8  }
0x198: {  	v63 =	vadd.s32 v42, v23;
	v35 =	vld [tilespmem:s23+$0x50];
	v23 =	vand.u32 $0xFFFFF800, v44;
	v3 =	vshll.u32 v18, $0x3  }
0x199: {  	v62 =	vld [tilespmem:s31+$0x60];
	v44 =	vshll.u32 v31, $0x8;
	v42 =	vand.u32 $0xFFFFFC00, v3;
	v3 =	vshll.u32 v24, $0x3  }
0x19a: {  	v36 =	vld.idx.msk [tilespmem:v22+s5+$0x0], $0xffff;
	v22 =	vand.u32 $0xFFFFF800, v44;
	v41 =	vadd.s32 v23, v42;
	v23 =	vand.u32 $0xFFFFFC00, v3  }
0x19b: {  	v26 =	vld.idx.msk [tilespmem:v1+s5+$0x0], $0xffff;
	v1 =	vshll.u32 v52, $0x8;
	v44 =	vadd.s32 v22, v23;
	v22 =	vshll.u32 v25, $0x3  }
0x19c: {  	v9 =	vshll.u32 v9, $0x7;
	v40 =	vld [tilespmem:s31+$0xFFFFFF80];
	v1 =	vand.u32 $0xFFFFF800, v1;
	v22 =	vand.u32 $0xFFFFFC00, v22  }
0x19d: {  	v38 =	vld.idx.msk [tilespmem:v43+s5+$0x0], $0xffff;
	v23 =	vshll.u32 v53, $0x8;
	v43 =	vadd.s32 v1, v22;
	v22 =	vshll.u32 v28, $0x3  }
0x19e: {  	v34 =	vld [tilespmem:s23+$0x60];
	v37 =	vand.u32 $0xFFFFF800, v23;
	v23 =	vshll.u32 v54, $0x8;
	v22 =	vand.u32 $0xFFFFFC00, v22  }
0x19f: {  	v39 =	vld.idx.msk [tilespmem:v46+s5+$0x0], $0xffff;
	v42 =	vshll.u32 v29, $0x3;
	v46 =	vadd.s32 v37, v22;
	v37 =	vand.u32 $0xFFFFF800, v23  }
0x1a0: {  	v22 =	vand.u32 $0xFFFFFC00, v42;
	v42 =	vld.idx.msk [tilespmem:v33+s5+$0x0], $0xffff;
	v23 =	vshll.u32 v59, $0x8;
	v33 =	vshll.u32 v35, $0x3  }
0x1a1: {  	v47 =	vld.idx.msk [tilespmem:v47+s5+$0x0], $0xffff;
	v3 =	vadd.s32 v37, v22;
	v23 =	vand.u32 $0xFFFFF800, v23;
	v1 =	vand.u32 $0xFFFFFC00, v33  }
0x1a2: {  	v33 =	vshll.u32 v62, $0x8;
	v22 =	vld.idx.msk [tilespmem:v50+s5+$0x0], $0xffff;
	v37 =	vshll.u32 v40, $0x8;
	v50 =	vadd.s32 v23, v1  }
0x1a3: {  	v1 =	vshll.u32 v34, $0x3;
	v23 =	vld.idx.msk [tilespmem:v51+s5+$0x0], $0xffff;
	v33 =	vand.u32 $0xFFFFF800, v33;
	v51 =	vand.u32 $0xFFFFF800, v37  }
0x1a4: {  	v48 =	vld.idx.msk [tilespmem:v48+s5+$0x0], $0xffff;
	v1 =	vand.u32 $0xFFFFFC00, v1;
	v37 =	vadd.s32 v51, v45;
	v51 =	vshll.u32 v40, $0x7  }
0x1a5: {  	v14 =	vmovc v4;
	v20 =	vshll.u32 v20, $0x7;
	v49 =	vld.idx.msk [tilespmem:v49+s5+$0x0], $0xffff;
	v4 =	vadd.s32 v33, v1;
	v33 =	vand.u32 $0x380, v51  }
0x1a6: {  	v12 =	vld [tilespmem:s30+$0xFFFFFFD0];
	v51 =	vor.u32 v33, v37;
	v33 =	vand.u32 $0x380, v9;
	v9 =	vand.u32 $0x380, v20  }
0x1a7: {  	v40 =	vld [tilespmem:s30+$0xFFFFFFE0];
	v20 =	vor.u32 v33, v57;
	v33 =	vshll.u32 v19, $0x7;
	v19 =	vshll.u32 v21, $0x7  }
0x1a8: {  	v45 =	vld [tilespmem:s30+$0xFFFFFFF0];
	v21 =	vshll.u32 v27, $0x7;
	v1 =	vand.u32 $0x380, v33;
	v33 =	vand.u32 $0x380, v19  }
0x1a9: {  	v19 =	vand.u32 $0x380, v21;
	v21 =	vor.u32 v33, v60;
	v60 =	vld [tilespmem:s30+$0x50]  }
0x1aa: {  	v37 =	vld [tilespmem:s30+$0x0]  }
0x1ab: {  	v0 =	vshll.u32 v0, $0x7;
	v57 =	vld [tilespmem:s30+$0x10]  }
0x1ac: {  	v0 =	vand.u32 $0x380, v0;
	v8 =	vor.u32 v9, v58;
	v58 =	vld [tilespmem:s30+$0x20]  }
0x1ad: {  	v55 =	vor.u32 v0, v55;
	v32 =	vshll.u32 v32, $0x7;
	v9 =	vld [tilespmem:s30+$0x30]  }
0x1ae: {  	v32 =	vand.u32 $0x380, v32;
	v27 =	vshll.u32 v2, $0x7;
	v19 =	vor.u32 v19, v61;
	v61 =	vld [tilespmem:s30+$0x40];
	[tilespmem:$0x1FE90] =	vst v60  }
0x1af: {  	v0 =	vshll.u32 v52, $0x7;
	v41 =	vor.u32 v32, v41;
	v27 =	vand.u32 $0x380, v27;
	v10 =	vld [tilespmem:s30+$0x60]  }
0x1b0: {  	v32 =	vand.u32 $0x380, v0;
	v2 =	vshll.u32 v54, $0x7;
	v60 =	vor.u32 v27, v63;
	v27 =	vld.idx.msk [tilespmem:v30+s5+$0x0], $0xffff  }
0x1b1: {  	v31 =	vshll.u32 v31, $0x7;
	v52 =	vor.u32 v32, v43;
	v43 =	vand.u32 $0x380, v2;
	v30 =	vld [tilespmem:s24+$0xFFFFFF80]  }
0x1b2: {  	v31 =	vand.u32 $0x380, v31;
	v63 =	vshll.u32 v59, $0x7;
	v59 =	vor.u32 v43, v3;
	v43 =	vld [tilespmem:s24+$0xFFFFFFE0]  }
0x1b3: {  	v44 =	vor.u32 v31, v44;
	v56 =	vor.u32 v1, v56;
	v1 =	vshll.u32 v53, $0x7;
	v31 =	vld [tilespmem:s24+$0xFFFFFF90]  }
0x1b4: {  	v33 =	vand.u32 $0x380, v1;
	v32 =	vld [tilespmem:s24+$0xFFFFFFA0]  }
0x1b5: {  	v46 =	vor.u32 v33, v46;
	v33 =	vld [tilespmem:s24+$0xFFFFFFB0]  }
0x1b6: {  	v0 =	vshll.u32 v62, $0x7;
	v62 =	vld [tilespmem:s24+$0xFFFFFFC0]  }
0x1b7: {  	v1 =	vand.u32 $0x380, v63;
	v63 =	vld [tilespmem:s24+$0xFFFFFFD0];
	[tilespmem:$0x1FEA0] =	vst v43  }
0x1b8: {  	v50 =	vor.u32 v1, v50;
	v1 =	vld [tilespmem:s24+$0xFFFFFFF0]  }
0x1b9: {  	v43 =	vld [tilespmem:$0x1FEC0];
	_ =	sdelay $0x3  }
0x1ba: {  	s25 =	simm.s32 $0x10080;
	[tilespmem:$0x1FEB0] =	vst v1  }
0x1bb: {  	[tilespmem:s25+$0x70] =	vst v43  }
0x1bc: {  	[tilespmem:s25+$0xFFFFFF80] =	vst v16  }
0x1bd: {  	v1 =	vld [tilespmem:$0x1FED0];
	_ =	sdelay $0x4  }
0x1be: {  	[tilespmem:s25+$0xFFFFFF90] =	vst v1  }
0x1bf: {  	v1 =	vld [tilespmem:$0x1FEE0];
	_ =	sdelay $0x4  }
0x1c0: {  	[tilespmem:s25+$0xFFFFFFA0] =	vst v1  }
0x1c1: {  	v1 =	vld [tilespmem:$0x1FEF0];
	_ =	sdelay $0x4  }
0x1c2: {  	[tilespmem:s25+$0xFFFFFFB0] =	vst v1  }
0x1c3: {  	v13 =	vand.u32 $0x7F, v13;
	v6 =	vand.u32 $0x7F, v6;
	v1 =	vld [tilespmem:$0x1FF00]  }
0x1c4: {  	v11 =	vand.u32 $0x7F, v11;
	v7 =	vand.u32 $0x7F, v7;
	v2 =	vand.u32 $0x380, v0  }
0x1c5: {  	v0 =	vor.u32 v6, v8;
	v8 =	vand.u32 $0x7F, v14;
	v56 =	vor.u32 v7, v56;
	v7 =	vld [tilespmem:s24+$0x0]  }
0x1c6: {  	v54 =	vand.u32 $0x7F, v5;
	v21 =	vor.u32 v8, v21;
	v3 =	vand.u32 $0x7F, v15;
	v8 =	vld [tilespmem:s24+$0x10]  }
0x1c7: {  	s26 =	simm.s32 $0x10180;
	v19 =	vor.u32 v11, v19;
	v11 =	vand.u32 $0x7F, v17;
	v51 =	vor.u32 v3, v51;
	v43 =	vld [tilespmem:s24+$0x20]  }
0x1c8: {  	v17 =	vand.u32 $0x7F, v18;
	v18 =	vor.u32 v11, v60;
	v11 =	vand.u32 $0x7F, v24;
	v24 =	vld [tilespmem:s24+$0x30];
	[tilespmem:s26+$0x70] =	vst v1  }
0x1c9: {  	v54 =	vor.u32 v54, v20;
	v20 =	vor.u32 v13, v55;
	v13 =	vand.u32 $0x7F, v25;
	v1 =	vld [tilespmem:$0x1FF10]  }
0x1ca: {  	v55 =	vand.u32 $0x7F, v28;
	v53 =	vor.u32 v2, v4;
	v45 =	vadd.f32 v45, v39;
	v25 =	vld [tilespmem:s24+$0x40]  }
0x1cb: {  	v14 =	vor.u32 v55, v46;
	v46 =	vadd.f32 v40, v38;
	v40 =	vadd.f32 v37, v47;
	v28 =	vld [tilespmem:s24+$0x50]  }
0x1cc: {  	v39 =	vadd.f32 v57, v48;
	v15 =	vor.u32 v13, v52;
	v60 =	vadd.f32 v12, v26;
	v26 =	vld.idx.msk [tilespmem:v51+s5+$0x0], $0xffff  }
0x1cd: {  	v16 =	vor.u32 v17, v41;
	v17 =	vor.u32 v11, v44;
	v11 =	vand.u32 $0x7F, v29;
	v37 =	vld.idx.msk [tilespmem:v0+s5+$0x0], $0xffff  }
0x1ce: {  	v29 =	vand.u32 $0x7F, v35;
	v38 =	vld.idx.msk [tilespmem:v56+s5+$0x0], $0xffff;
	v13 =	vor.u32 v11, v59;
	v59 =	vadd.f32 v1, v36  }
0x1cf: {  	v12 =	vand.u32 $0x7F, v34;
	v34 =	vadd.f32 v9, v49;
	v11 =	vor.u32 v29, v50;
	v29 =	vld [tilespmem:s24+$0x60];
	[tilespmem:s25+$0xFFFFFFD0] =	vst v60  }
0x1d0: {  	s28 =	simm.s32 $0x10;
	s29 =	simm.s32 $0x12280;
	v12 =	vor.u32 v12, v53;
	v35 =	vadd.f32 v58, v42;
	v36 =	vld.idx.msk [tilespmem:v54+s5+$0x0], $0xffff;
	[tilespmem:s25+$0xFFFFFFC0] =	vst v59  }
.LBB2_6:
0x1d1: {  	v41 =	vld [tilespmem:s29+$0x70]  }
0x1d2: {  	v0 =	vld [tilespmem:$0x1FE90]  }
0x1d3: {  	v50 =	vld [tilespmem:s29+$0xFFFFFFB0]  }
0x1d4: {  	s23 =	sadd.s32 $0x100, s23;
	v56 =	vld [tilespmem:s29+$0xFFFFFFC0]  }
0x1d5: {  	[tilespmem:s25+$0xFFFFFFE0] =	vst v46;
	v42 =	vld [tilespmem:s23+$0x70]  }
0x1d6: {  	[tilespmem:s25+$0x30] =	vst v34;
	v34 =	vld [tilespmem:s23+$0xFFFFFFD0]  }
0x1d7: {  	v57 =	vld [tilespmem:s29+$0xFFFFFFE0]  }
0x1d8: {  	[tilespmem:s25+$0x20] =	vst v35;
	v35 =	vld [tilespmem:s23+$0xFFFFFFE0]  }
0x1d9: {  	v5 =	vld.idx.msk [tilespmem:v15+s5+$0x0], $0xffff;
	v22 =	vadd.f32 v61, v22;
	v27 =	vadd.f32 v10, v27  }
0x1da: {  	[tilespmem:$0x1FE60] =	vst v8;
	v3 =	vmovc v24;
	v1 =	vmov v28;
	v24 =	vld [tilespmem:s23+$0xFFFFFF80];
	v26 =	vadd.f32 v30, v26;
	v28 =	vadd.f32 v31, v36  }
0x1db: {  	[tilespmem:s25+$0xFFFFFFF0] =	vst v45;
	v47 =	vmov v29;
	v30 =	vld [tilespmem:s29+$0xFFFFFF90];
	v29 =	vadd.f32 v32, v37;
	v23 =	vadd.f32 v0, v23  }
0x1dc: {  	v2 =	vmovc v25;
	v25 =	vld [tilespmem:s23+$0xFFFFFF90];
	v48 =	vshll.u32 v41, $0x8;
	v52 =	vshll.u32 v41, $0x7;
	v44 =	vshll.u32 v56, $0x8;
	[tilespmem:s26+$0xFFFFFF80] =	vst v26  }
0x1dd: {  	v31 =	vld [tilespmem:s29+$0xFFFFFFA0];
	v46 =	vshll.u32 v50, $0x7;
	[tilespmem:s26+$0xFFFFFF90] =	vst v28;
	v28 =	vadd.f32 v33, v38;
	v49 =	vshll.u32 v42, $0x3  }
0x1de: {  	v26 =	vld [tilespmem:s23+$0xFFFFFFA0];
	[tilespmem:s26+$0xFFFFFFA0] =	vst v29;
	v29 =	vand.u32 $0xFFFFF800, v48;
	v54 =	vand.u32 $0x380, v52;
	v58 =	vand.u32 $0x7F, v42  }
0x1df: {  	v4 =	vmovc v43;
	v36 =	vld [tilespmem:s23+$0xFFFFFFF0];
	[tilespmem:$0x1FE80] =	vst v3;
	v44 =	vand.u32 $0xFFFFF800, v44;
	v43 =	vshll.u32 v57, $0x7;
	v15 =	vand.u32 $0x380, v46  }
0x1e0: {  	v0 =	vld [tilespmem:s29+$0xFFFFFFD0];
	v51 =	vand.u32 $0xFFFFFC00, v49;
	[tilespmem:s25+$0x50] =	vst v23;
	v23 =	vshll.u32 v50, $0x8;
	v49 =	vshll.u32 v56, $0x7  }
0x1e1: {  	[tilespmem:s25+$0x40] =	vst v22;
	v50 =	vld [tilespmem:s29+$0xFFFFFFF0];
	v29 =	vadd.s32 v29, v51;
	v3 =	vand.u32 $0xFFFFF800, v23;
	v53 =	vshll.u32 v24, $0x3  }
0x1e2: {  	v56 =	vld [tilespmem:s29+$0x40];
	[tilespmem:s26+$0xFFFFFFB0] =	vst v28;
	v55 =	vshll.u32 v30, $0x8;
	v32 =	vor.u32 v54, v29;
	v59 =	vshll.u32 v25, $0x3  }
0x1e3: {  	[tilespmem:s25+$0x0] =	vst v40;
	v28 =	vld [tilespmem:s23+$0xFFFFFFB0];
	v60 =	vshll.u32 v31, $0x8;
	v23 =	vshll.u32 v30, $0x7;
	v32 =	vor.u32 v58, v32  }
0x1e4: {  	[tilespmem:$0x1FE90] =	vst v1;
	v54 =	vld [tilespmem:s29+$0x0];
	v22 =	vand.u32 $0xFFFFFC00, v53;
	v33 =	vand.u32 $0xFFFFF800, v55;
	v1 =	vand.u32 $0xFFFFFC00, v59  }
0x1e5: {  	[tilespmem:s25+$0x10] =	vst v39;
	v29 =	vld [tilespmem:s23+$0xFFFFFFC0];
	v39 =	vand.u32 $0xFFFFF800, v60;
	v52 =	vshll.u32 v0, $0x7;
	v60 =	vshll.u32 v35, $0x3  }
0x1e6: {  	[tilespmem:$0x1FE70] =	vst v4;
	v4 =	vld.idx.msk [tilespmem:v17+s5+$0x0], $0xffff;
	v17 =	vand.u32 $0x380, v23;
	v61 =	vshll.u32 v26, $0x3;
	v46 =	vand.u32 $0x380, v52  }
0x1e7: {  	v37 =	vld [tilespmem:s23+$0x0];
	[tilespmem:$0x1FE40] =	vst v2;
	v2 =	vand.u32 $0xFFFFFC00, v61;
	v61 =	vand.u32 $0xFFFFFC00, v60;
	v45 =	vshll.u32 v50, $0x7  }
0x1e8: {  	v8 =	vmovc v7;
	v7 =	vmovc v63;
	[tilespmem:s25+$0x60] =	vst v27;
	v38 =	vld [tilespmem:s23+$0x10];
	v63 =	vshll.u32 v56, $0x8;
	v56 =	vshll.u32 v56, $0x7;
	v27 =	vshll.u32 v28, $0x3  }
0x1e9: {  	v23 =	vld.idx.msk [tilespmem:v11+s5+$0x0], $0xffff;
	v11 =	vand.u32 $0x380, v56;
	v60 =	vshll.u32 v54, $0x8;
	v30 =	vand.u32 $0xFFFFFC00, v27  }
0x1ea: {  	s24 =	sadd.s32 $0x100, s24;
	v27 =	vshll.u32 v31, $0x7;
	v31 =	vshll.u32 v29, $0x3;
	v58 =	vld.idx.msk [tilespmem:v32+s5+$0x0], $0xffff;
	v32 =	vadd.s32 v39, v2  }
0x1eb: {  	[tilespmem:$0x1FE50] =	vst v47;
	v48 =	vld [tilespmem:s24+$0x70];
	v2 =	vshll.u32 v36, $0x3;
	v47 =	vand.u32 $0xFFFFFC00, v31;
	v31 =	vshll.u32 v0, $0x8  }
0x1ec: {  	v41 =	vadd.s32 v3, v30;
	v30 =	vld [tilespmem:s29+$0x10];
	v59 =	vand.u32 $0xFFFFF800, v31;
	v31 =	vshll.u32 v34, $0x3  }
0x1ed: {  	v3 =	vld [tilespmem:s29+$0x20];
	v42 =	vadd.s32 v44, v47;
	v51 =	vand.u32 $0xFFFFFC00, v31;
	v31 =	vshll.u32 v57, $0x8  }
0x1ee: {  	v39 =	vld [tilespmem:s23+$0x20];
	v47 =	vand.u32 $0xFFFFFC00, v2;
	v2 =	vshll.u32 v38, $0x3;
	v53 =	vand.u32 $0xFFFFF800, v31  }
0x1ef: {  	v31 =	vadd.s32 v33, v1;
	v44 =	vadd.s32 v59, v51;
	v1 =	vshll.u32 v50, $0x8;
	v59 =	vld [tilespmem:s29+$0x50]  }
0x1f0: {  	v51 =	vshll.u32 v54, $0x7;
	v33 =	vadd.s32 v53, v61;
	v40 =	vand.u32 $0xFFFFF800, v1;
	v53 =	vld [tilespmem:s29+$0x30]  }
0x1f1: {  	v50 =	vand.u32 $0xFFFFF800, v60;
	v0 =	vadd.f32 v48, v58;
	v47 =	vadd.s32 v40, v47;
	v40 =	vld [tilespmem:s23+$0x30]  }
0x1f2: {  	s25 =	smov.u32 s26;
	s26 =	sadd.s32 $0x100, s26;
	v61 =	vshll.u32 v37, $0x3;
	v58 =	vld [tilespmem:s23+$0x40];
	v55 =	vshll.u32 v30, $0x8;
	v57 =	vshll.u32 v3, $0x8  }
0x1f3: {  	v48 =	vshll.u32 v3, $0x7;
	[tilespmem:s26+$0x70] =	vst v0;
	v0 =	vand.u32 $0xFFFFFC00, v61;
	v1 =	vand.u32 $0xFFFFF800, v55;
	v61 =	vld [tilespmem:s23+$0x50]  }
0x1f4: {  	v6 =	vmovc v62;
	v62 =	vld [tilespmem:s29+$0x60];
	v55 =	vand.u32 $0xFFFFFC00, v2;
	v50 =	vadd.s32 v50, v0;
	v0 =	vshll.u32 v39, $0x3  }
0x1f5: {  	v9 =	vld [tilespmem:s29+$0xFFFFFF80];
	v3 =	vand.u32 $0xFFFFF800, v57;
	v54 =	vadd.s32 v1, v55;
	v57 =	vand.u32 $0xFFFFFC00, v0  }
0x1f6: {  	v0 =	vld [tilespmem:s23+$0x60];
	v10 =	vshll.u32 v59, $0x8;
	v60 =	vshll.u32 v53, $0x8;
	v1 =	vshll.u32 v40, $0x3  }
0x1f7: {  	v55 =	vadd.s32 v3, v57;
	v57 =	vand.u32 $0xFFFFF800, v60;
	v60 =	vand.u32 $0xFFFFFC00, v1;
	v1 =	vld.idx.msk [tilespmem:v21+s5+$0x0], $0xffff  }
0x1f8: {  	v2 =	vshll.u32 v58, $0x3;
	v3 =	vshll.u32 v61, $0x3;
	v52 =	vand.u32 $0x7F, v61;
	v61 =	vld [tilespmem:$0x1FE40]  }
0x1f9: {  	v57 =	vadd.s32 v57, v60;
	v60 =	vand.u32 $0xFFFFF800, v63;
	v63 =	vand.u32 $0xFFFFFC00, v2;
	v2 =	vld.idx.msk [tilespmem:v20+s5+$0x0], $0xffff  }
0x1fa: {  	v10 =	vand.u32 $0xFFFFF800, v10;
	v21 =	vadd.s32 v60, v63;
	v63 =	vld.idx.msk [tilespmem:v19+s5+$0x0], $0xffff;
	v19 =	vand.u32 $0xFFFFFC00, v3  }
0x1fb: {  	v60 =	vshll.u32 v62, $0x8;
	v20 =	vshll.u32 v0, $0x3;
	v3 =	vld.idx.msk [tilespmem:v16+s5+$0x0], $0xffff;
	v10 =	vadd.s32 v10, v19  }
0x1fc: {  	v19 =	vand.u32 $0xFFFFF800, v60;
	v60 =	vld.idx.msk [tilespmem:v18+s5+$0x0], $0xffff;
	v18 =	vshll.u32 v9, $0x8;
	v20 =	vand.u32 $0xFFFFFC00, v20  }
0x1fd: {  	v11 =	vor.u32 v11, v21;
	v21 =	vand.u32 $0x7F, v26;
	v26 =	vand.u32 $0x7F, v34;
	v34 =	vld [tilespmem:s24+$0xFFFFFFE0]  }
0x1fe: {  	v16 =	vand.u32 $0xFFFFF800, v18;
	v18 =	vadd.s32 v19, v20;
	v20 =	vand.u32 $0x380, v49;
	v49 =	vld.idx.msk [tilespmem:v14+s5+$0x0], $0xffff  }
0x1ff: {  	v15 =	vor.u32 v15, v41;
	v30 =	vshll.u32 v30, $0x7;
	v19 =	vand.u32 $0x380, v27;
	v27 =	vld.idx.msk [tilespmem:v12+s5+$0x0], $0xffff  }
0x200: {  	v53 =	vshll.u32 v53, $0x7;
	v62 =	vshll.u32 v62, $0x7;
	v12 =	vor.u32 v17, v31;
	v31 =	vld [tilespmem:s24+$0xFFFFFF90]  }
0x201: {  	v56 =	vand.u32 $0x380, v62;
	v14 =	vand.u32 $0x380, v43;
	v16 =	vadd.s32 v16, v22;
	v22 =	vld.idx.msk [tilespmem:v13+s5+$0x0], $0xffff  }
0x202: {  	v43 =	vand.u32 $0x380, v45;
	v45 =	vand.u32 $0x380, v51;
	v13 =	vand.u32 $0x380, v30;
	v30 =	vld [tilespmem:s24+$0xFFFFFF80]  }
0x203: {  	v14 =	vor.u32 v14, v33;
	v41 =	vor.u32 v43, v47;
	v33 =	vld [tilespmem:s24+$0xFFFFFFB0];
	v47 =	vor.u32 v56, v18  }
0x204: {  	v18 =	vand.u32 $0x7F, v24;
	v24 =	vand.u32 $0x7F, v28;
	v28 =	vand.u32 $0x7F, v35;
	v35 =	vld [tilespmem:s24+$0xFFFFFFF0]  }
0x205: {  	v51 =	vand.u32 $0x380, v53;
	v17 =	vor.u32 v20, v42;
	v42 =	vor.u32 v45, v50;
	v50 =	vld [tilespmem:s24+$0x0]  }
0x206: {  	v59 =	vshll.u32 v59, $0x7;
	v45 =	vor.u32 v51, v57;
	v51 =	vld [tilespmem:s24+$0x10]  }
0x207: {  	v48 =	vand.u32 $0x380, v48;
	v59 =	vand.u32 $0x380, v59;
	v9 =	vshll.u32 v9, $0x7;
	v43 =	vld [tilespmem:s24+$0x20]  }
0x208: {  	v9 =	vand.u32 $0x380, v9;
	v10 =	vor.u32 v59, v10;
	v20 =	vand.u32 $0x7F, v25;
	v56 =	vld [tilespmem:$0x1FEB0]  }
0x209: {  	v25 =	vand.u32 $0x7F, v29;
	v9 =	vor.u32 v9, v16;
	v16 =	vor.u32 v19, v32;
	v32 =	vld [tilespmem:s24+$0xFFFFFFA0]  }
0x20a: {  	v29 =	vand.u32 $0x7F, v36;
	v36 =	vand.u32 $0x7F, v37;
	v19 =	vor.u32 v46, v44;
	v46 =	vld [tilespmem:s24+$0xFFFFFFC0]  }
0x20b: {  	v37 =	vand.u32 $0x7F, v38;
	v44 =	vor.u32 v48, v55;
	v48 =	vld [tilespmem:s24+$0xFFFFFFD0];
	v59 =	vor.u32 v24, v15  }
0x20c: {  	v38 =	vand.u32 $0x7F, v39;
	v39 =	vand.u32 $0x7F, v40;
	v40 =	vand.u32 $0x7F, v58;
	v24 =	vld [tilespmem:s24+$0x30]  }
0x20d: {  	v57 =	vor.u32 v20, v12;
	v20 =	vor.u32 v28, v14;
	v28 =	vld [tilespmem:s24+$0x50];
	v58 =	vor.u32 v21, v16  }
0x20e: {  	v16 =	vor.u32 v36, v42;
	v42 =	vadd.f32 v6, v1;
	v6 =	vld [tilespmem:$0x1FEA0]  }
0x20f: {  	v14 =	vor.u32 v39, v45;
	v45 =	vadd.f32 v56, v60;
	v60 =	vld [tilespmem:$0x1FE80]  }
0x210: {  	v15 =	vor.u32 v38, v44;
	v38 =	vld.idx.msk [tilespmem:v59+s5+$0x0], $0xffff  }
0x211: {  	v13 =	vor.u32 v13, v54;
	v59 =	vld [tilespmem:$0x1FE70]  }
0x212: {  	s28 =	sadd.s32 $0x10, s28;
	v21 =	vor.u32 v25, v17;
	v17 =	vor.u32 v37, v13;
	v37 =	vld.idx.msk [tilespmem:v58+s5+$0x0], $0xffff  }
0x213: {  	p0 =	slt.u32 s28, $0x1F0;
	v0 =	vand.u32 $0x7F, v0;
	v9 =	vor.u32 v18, v9;
	v58 =	vld [tilespmem:$0x1FE60]  }
.Ltmp2:
0x214: {  	v25 =	vld [tilespmem:s24+$0x40];
	v13 =	vor.u32 v40, v11;
	v11 =	vor.u32 v52, v10;
	v52 =	vadd.f32 v7, v63;
	(pc) =	sbr.rel @p0 .LBB2_6-.Ltmp2, $4  }
0x215: {  	v12 =	vor.u32 v0, v47;
	v19 =	vor.u32 v26, v19;
	v18 =	vor.u32 v29, v41;
	v10 =	vld [tilespmem:$0x1FE50];
	[tilespmem:s25+$0xFFFFFFC0] =	vst v42  }
0x216: {  	v40 =	vadd.f32 v8, v3;
	[tilespmem:s25+$0xFFFFFFD0] =	vst v52;
	v7 =	vmovc v50;
	v8 =	vmov v51;
	v36 =	vld.idx.msk [tilespmem:v57+s5+$0x0], $0xffff;
	v57 =	vmov v35  }
0x217: {  	v29 =	vld [tilespmem:s24+$0x60];
	v62 =	vmovc v46;
	v46 =	vadd.f32 v6, v2;
	v6 =	vmov v34;
	[tilespmem:$0x1FEB0] =	vst v57;
	v34 =	vadd.f32 v60, v49  }
0x218: {  	s29 =	sadd.s32 $0x100, s29;
	v63 =	vmov v48;
	v26 =	vld.idx.msk [tilespmem:v9+s5+$0x0], $0xffff;
	[tilespmem:$0x1FEA0] =	vst v6;
	v35 =	vadd.f32 v59, v5;
	v39 =	vadd.f32 v58, v4  }
0x219: {  	[tilespmem:s25+$0xFFFFFFE0] =	vst v46  }
0x21a: {  	[tilespmem:s25+$0xFFFFFFF0] =	vst v45  }
0x21b: {  	[tilespmem:s25+$0x0] =	vst v40  }
0x21c: {  	v49 =	vadd.f32 v32, v37;
	[tilespmem:s25+$0x10] =	vst v39  }
0x21d: {  	v50 =	vadd.f32 v33, v38;
	[tilespmem:s25+$0x20] =	vst v35  }
0x21e: {  	v1 =	vadd.f32 v31, v36;
	[tilespmem:s26+$0xFFFFFFA0] =	vst v49  }
0x21f: {  	[tilespmem:s26+$0xFFFFFFB0] =	vst v50;
	v0 =	vadd.f32 v30, v26  }
0x220: {  	v51 =	vld.idx.msk [tilespmem:v21+s5+$0x0], $0xffff;
	[tilespmem:s26+$0xFFFFFF90] =	vst v1  }
0x221: {  	v52 =	vld.idx.msk [tilespmem:v19+s5+$0x0], $0xffff;
	[tilespmem:s26+$0xFFFFFF80] =	vst v0  }
0x222: {  	v4 =	vld [tilespmem:$0x1FE90]  }
0x223: {  	v53 =	vld.idx.msk [tilespmem:v16+s5+$0x0], $0xffff  }
0x224: {  	v54 =	vld.idx.msk [tilespmem:v17+s5+$0x0], $0xffff  }
0x225: {  	v2 =	vadd.f32 v61, v22;
	v55 =	vld.idx.msk [tilespmem:v15+s5+$0x0], $0xffff  }
0x226: {  	v56 =	vld.idx.msk [tilespmem:v14+s5+$0x0], $0xffff;
	v9 =	vadd.f32 v10, v27;
	[tilespmem:s25+$0x30] =	vst v34  }
0x227: {  	v57 =	vld.idx.msk [tilespmem:v13+s5+$0x0], $0xffff;
	[tilespmem:s25+$0x40] =	vst v2;
	v4 =	vadd.f32 v4, v23  }
0x228: {  	v59 =	vld.idx.msk [tilespmem:v11+s5+$0x0], $0xffff;
	v0 =	vadd.f32 v62, v51;
	[tilespmem:s25+$0x60] =	vst v9  }
0x229: {  	v60 =	vld.idx.msk [tilespmem:v12+s5+$0x0], $0xffff;
	v1 =	vadd.f32 v63, v52;
	[tilespmem:s25+$0x50] =	vst v4  }
0x22a: {  	v2 =	vadd.f32 v7, v53;
	v6 =	vld [tilespmem:$0x1FEA0];
	[tilespmem:s26+$0xFFFFFFC0] =	vst v0  }
0x22b: {  	v4 =	vadd.f32 v8, v54;
	v58 =	vld [tilespmem:$0x1FEB0];
	[tilespmem:s26+$0xFFFFFFD0] =	vst v1  }
0x22c: {  	v3 =	vld.idx.msk [tilespmem:v20+s5+$0x0], $0xffff;
	v61 =	vadd.f32 v43, v55;
	[tilespmem:s26+$0x0] =	vst v2  }
0x22d: {  	v5 =	vld.idx.msk [tilespmem:v18+s5+$0x0], $0xffff;
	v62 =	vadd.f32 v24, v56;
	[tilespmem:s26+$0x10] =	vst v4  }
0x22e: {  	v63 =	vadd.f32 v29, v60;
	[tilespmem:s26+$0x20] =	vst v61  }
0x22f: {  	v0 =	vadd.f32 v25, v57;
	[tilespmem:s26+$0x30] =	vst v62  }
0x230: {  	v1 =	vadd.f32 v28, v59;
	[tilespmem:s26+$0x60] =	vst v63  }
0x231: {  	[tilespmem:s26+$0x40] =	vst v0;
	v3 =	vadd.f32 v6, v3  }
0x232: {  	s22 =	sadd.s32 $0x1, s22;
	[tilespmem:s26+$0x50] =	vst v1;
	v5 =	vadd.f32 v58, v5  }
0x233: {  	p0 =	sne.s32 s22, s11;
	[tilespmem:s26+$0xFFFFFFE0] =	vst v3  }
.Ltmp3:
0x234: {  	[tilespmem:s26+$0xFFFFFFF0] =	vst v5;
	(pc) =	sbr.rel @p0 .LBB2_1-.Ltmp3, $4  }
0x235: {  	[hbm4b:s10+s18] =	stream.strided.scatter [tilespmem:s20], [sflag:$0x3], $0x2000, s19, s18, $0x38;
	[tilespmem:$0x1A080] =	vst v63  }
0x236: {  	_ =	swait.ge [sflag:s21], $0x2000  }
0x237: {  	[sflag:s21] =	ssyncset.done $0x0  }
0x238: {  	[sflag:s21] =	ssyncadd.s32 $0xFFFFE000  }
0x239: {  	_ =	sfence.sel $0x180000  }
0x23a: {  	[bflag:$0x0] =	sbarrier.arrive $0xFFFF  }
0x23b: {  	p0 =	sne.s32 s4, $0x0;
	_ =	strace $0x90000047  }
0x23c: {  	s0 =	sadd.s32 @!p0 $0x100000, s0;
	[bflag:$0x2] =	sbarrier.arrive $0xFFFF  }
0x23d: {  	[sflag:s0] =	ssyncadd.tile.s32 @!p0 $0x1;
	_ =	shalt  }
.Lfunc_end2:
_tile_overlayer_lowered:
.L_overlay_start_2:
0x23e: {  	(tag) =	ssettag $0x2  }
0x23f: {  	s0 =	rddreg [dreg:$0x0];
	s2 =	stileid.u32  }
0x240: {  	s1 =	rddreg [dreg:$0x1];
	p0 =	sne.s32 s2, $0x0  }
0x241: {  	s3 =	rddreg [dreg:$0x2];
	[bflag:$0x3] =	sbarrier.arrive $0xFFFF;
	s2 =	simm.s32 @!p0 $0x1C03  }
0x242: {  	[timem:s3], [sflag:s2] =	dma.local @!p0 [hbm:s0], s1  }
0x243: {  	s0 =	simm.s32 @!p0 $0x3  }
0x244: {  	_ =	swait.ge @!p0 [sflag:s0], s1  }
0x245: {  	s1 =	ssub.s32 @!p0 $0x0, s1;
	[sflag:s0] =	ssyncset.done @!p0 $0x0  }
0x246: {  	[sflag:s0] =	ssyncadd.s32 @!p0 s1  }
0x247: {  	[bflag:$0x3] =	sbarrier.arrive $0xFFFF  }
0x248: {  	_ =	shalt  }

</sc_bundles>
